<compile_context>
chip_gen: v7x
topology: tpu7x:2x2x1
jax: 0.10.2.dev20260603
libtpu: 0.0.44.dev20260713+nightly
codegen_flags: <defaults>
</compile_context>

<pallas_src>
import functools

import jax
from jax import lax
from jax.experimental import pallas as pl
from jax.experimental.pallas import tpu as pltpu
from jax.experimental.pallas import tpu_sc as plsc

_NC = 2
_NS = 16
_NW = _NC * _NS
_CHUNK = 56
_NBUF = 2


def _make_sc_copy(rows, d, dtype):
    rows_per_w = rows // _NW
    sizes = []
    off = 0
    while off < rows_per_w:
        sz = min(_CHUNK, rows_per_w - off)
        sizes.append((off, sz))
        off += sz
    nch = len(sizes)
    nbuf = _NBUF
    mesh = plsc.VectorSubcoreMesh(core_axis_name="c", subcore_axis_name="s")

    @functools.partial(
        pl.kernel,
        mesh=mesh,
        out_type=jax.ShapeDtypeStruct((rows, d), dtype),
        scratch_types=(
            [pltpu.VMEM((_CHUNK, d), dtype) for _ in range(nbuf)]
            + [pltpu.SemaphoreType.DMA for _ in range(2 * nbuf)]
        ),
    )
    def sc_copy(in_hbm, out_hbm, *scratch):
        bufs = scratch[:nbuf]
        rsems = scratch[nbuf:2 * nbuf]
        wsems = scratch[2 * nbuf:]
        wid = lax.axis_index("s") * _NC + lax.axis_index("c")
        base = wid * rows_per_w

        def rd(i):
            off, sz = sizes[i]
            return pltpu.make_async_copy(
                in_hbm.at[pl.ds(base + off, sz)],
                bufs[i % nbuf].at[pl.ds(0, sz)], rsems[i % nbuf])

        def wr(i):
            off, sz = sizes[i]
            return pltpu.make_async_copy(
                bufs[i % nbuf].at[pl.ds(0, sz)],
                out_hbm.at[pl.ds(base + off, sz)], wsems[i % nbuf])

        for k in range(min(nbuf - 1, nch)):
            rd(k).start()
        for i in range(nch):
            j = i + nbuf - 1
            if j < nch:
                if j - nbuf >= 0:
                    wr(j - nbuf).wait()
                rd(j).start()
            rd(i).wait()
            wr(i).start()
        for k in range(max(0, nch - nbuf), nch):
            wr(k).wait()

    return sc_copy


def kernel(sequences, batch_first, padding_value, padding_side):
    B, L, D = sequences.shape
    rows = B * L
    flat = sequences.reshape(rows, D)
    out = _make_sc_copy(rows, D, sequences.dtype)(flat)
    return out.reshape(B, L, D)

# --- scband reference (transcript-rebuilt; emitter-appended) ---
"""Pipeline reference for scband-torch-ops-aten-pad-sequence-module-53987738910974 (READ-ONLY COPY).

The authoritative reference and input builder live on the scoring server;
editing this copy changes nothing except your own understanding.
"""

import jax, jax.numpy as jnp
import numpy as np


def setup_inputs(seed: int = 0) -> dict:
    key = jax.random.key(seed)
    sequences = jax.random.normal(key, (8, 2048, 1024), dtype=jnp.float32)
    return {
        "sequences": sequences,
        "batch_first": True,
        "padding_value": 1.0,
        "padding_side": 0,
    }


def reference(sequences, batch_first, padding_value, padding_side):
    # aten.pad_sequence over a TensorList obtained by unbinding the leading
    # dim of a 3D tensor: all sequences share length L, so padding only
    # fills (no-op here), but we keep the faithful pad-then-copy semantics.
    B, L, D = sequences.shape
    max_len = L
    out = jnp.full((B, max_len, D), padding_value, dtype=sequences.dtype)
    out_right = out.at[:, :L, :].set(sequences)  # right padding: sequence placed at the start
    out_left = out.at[:, max_len - L:, :].set(sequences)  # left padding: sequence placed at the end
    out = jnp.where(padding_side == 0, out_right, out_left)
    out = jnp.where(batch_first, out, out)
    return out

if __name__ == "__main__":
    import jax
    _d = setup_inputs()
    print(jax.jit(kernel)(*tuple(_d.values())))

</pallas_src>

<mosaic_0001>
#map = affine_map<(d0, d1) -> (0, 0)>
module attributes {stable_mosaic.version = 14 : i64} {
  func.func @sc_copy(%arg0: i32, %arg1: i32, %arg2: memref<16384x1024xf32, #tpu.memory_space<hbm>>, %arg3: memref<16384x1024xf32, #tpu.memory_space<hbm>>, %arg4: memref<56x1024xf32, #tpu.memory_space<vmem>>, %arg5: memref<56x1024xf32, #tpu.memory_space<vmem>>, %arg6: memref<!tpu.dma_semaphore, #tpu.memory_space<semaphore_mem>>, %arg7: memref<!tpu.dma_semaphore, #tpu.memory_space<semaphore_mem>>, %arg8: memref<!tpu.dma_semaphore, #tpu.memory_space<semaphore_mem>>, %arg9: memref<!tpu.dma_semaphore, #tpu.memory_space<semaphore_mem>>) attributes {dimension_semantics = [#tpu.dimension_semantics<core_parallel>, #tpu.dimension_semantics<subcore_parallel>], iteration_bounds = array<i64: 2, 16>, scalar_prefetch = 0 : i64, scratch_operands = 6 : i64, tpu.core_type = #tpu.core_type<sc_vector_subcore>, window_params = [{transform_indices = #map}, {transform_indices = #map}]} {
    %mul3A = arith.constant 2 : i32
    %mul3A_0 = arith.muli %arg1, %mul3A : i32
    %add3A = arith.addi %mul3A_0, %arg0 : i32
    %mul3A_1 = arith.constant 512 : i32
    %mul3A_2 = arith.muli %add3A, %mul3A_1 : i32
    %add3A_3 = arith.constant 0 : i32
    %add3A_4 = arith.addi %mul3A_2, %add3A_3 : i32
    %dma_start3A = arith.constant 0 : i32
    %dma_start3A_5 = arith.constant 0 : i32
    %dma_start3A_6 = tpu.memref_slice %arg4[%dma_start3A, %dma_start3A_5] : memref<56x1024xf32, #tpu.memory_space<vmem>> -> memref<56x1024xf32, #tpu.memory_space<vmem>>
    %dma_start3A_7 = arith.constant 0 : i32
    %dma_start3A_8 = tpu.memref_slice %arg2[%add3A_4, %dma_start3A_7] : memref<16384x1024xf32, #tpu.memory_space<hbm>> -> memref<56x1024xf32, #tpu.memory_space<hbm>>
    %dma_start3A_9 = arith.constant 0 : i32
    %dma_start3A_10 = arith.constant 0 : i32
    %dma_start3A_11 = tpu.memref_slice %arg4[%dma_start3A_9, %dma_start3A_10] : memref<56x1024xf32, #tpu.memory_space<vmem>> -> memref<56x1024xf32, #tpu.memory_space<vmem>>
    %dma_start3A_12 = arith.constant 0 : i32
    %dma_start3A_13 = tpu.memref_slice %arg2[%add3A_4, %dma_start3A_12] : memref<16384x1024xf32, #tpu.memory_space<hbm>> -> memref<56x1024xf32, #tpu.memory_space<hbm>>
    tpu.enqueue_dma source(%dma_start3A_13 : memref<56x1024xf32, #tpu.memory_space<hbm>>) target(%dma_start3A_11 : memref<56x1024xf32, #tpu.memory_space<vmem>>) target_semaphore(%arg6 : memref<!tpu.dma_semaphore, #tpu.memory_space<semaphore_mem>>)
    %add3A_14 = arith.constant 56 : i32
    %add3A_15 = arith.addi %mul3A_2, %add3A_14 : i32
    %dma_start3A_16 = arith.constant 0 : i32
    %dma_start3A_17 = arith.constant 0 : i32
    %dma_start3A_18 = tpu.memref_slice %arg5[%dma_start3A_16, %dma_start3A_17] : memref<56x1024xf32, #tpu.memory_space<vmem>> -> memref<56x1024xf32, #tpu.memory_space<vmem>>
    %dma_start3A_19 = arith.constant 0 : i32
    %dma_start3A_20 = tpu.memref_slice %arg2[%add3A_15, %dma_start3A_19] : memref<16384x1024xf32, #tpu.memory_space<hbm>> -> memref<56x1024xf32, #tpu.memory_space<hbm>>
    %dma_start3A_21 = arith.constant 0 : i32
    %dma_start3A_22 = arith.constant 0 : i32
    %dma_start3A_23 = tpu.memref_slice %arg5[%dma_start3A_21, %dma_start3A_22] : memref<56x1024xf32, #tpu.memory_space<vmem>> -> memref<56x1024xf32, #tpu.memory_space<vmem>>
    %dma_start3A_24 = arith.constant 0 : i32
    %dma_start3A_25 = tpu.memref_slice %arg2[%add3A_15, %dma_start3A_24] : memref<16384x1024xf32, #tpu.memory_space<hbm>> -> memref<56x1024xf32, #tpu.memory_space<hbm>>
    tpu.enqueue_dma source(%dma_start3A_25 : memref<56x1024xf32, #tpu.memory_space<hbm>>) target(%dma_start3A_23 : memref<56x1024xf32, #tpu.memory_space<vmem>>) target_semaphore(%arg7 : memref<!tpu.dma_semaphore, #tpu.memory_space<semaphore_mem>>)
    %add3A_26 = arith.constant 0 : i32
    %add3A_27 = arith.addi %mul3A_2, %add3A_26 : i32
    %dma_wait3A = arith.constant 0 : i32
    %dma_wait3A_28 = arith.constant 0 : i32
    %dma_wait3A_29 = tpu.memref_slice %arg4[%dma_wait3A, %dma_wait3A_28] : memref<56x1024xf32, #tpu.memory_space<vmem>> -> memref<56x1024xf32, #tpu.memory_space<vmem>>
    %dma_wait3A_30 = arith.constant 0 : i32
    %dma_wait3A_31 = tpu.memref_slice %arg2[%add3A_27, %dma_wait3A_30] : memref<16384x1024xf32, #tpu.memory_space<hbm>> -> memref<56x1024xf32, #tpu.memory_space<hbm>>
    %dma_wait3A_32 = arith.constant 0 : i32
    %dma_wait3A_33 = arith.constant 0 : i32
    %dma_wait3A_34 = tpu.memref_slice %arg4[%dma_wait3A_32, %dma_wait3A_33] : memref<56x1024xf32, #tpu.memory_space<vmem>> -> memref<56x1024xf32, #tpu.memory_space<vmem>>
    %dma_wait3A_35 = arith.constant 0 : i32
    %dma_wait3A_36 = tpu.memref_slice %arg2[%add3A_27, %dma_wait3A_35] : memref<16384x1024xf32, #tpu.memory_space<hbm>> -> memref<56x1024xf32, #tpu.memory_space<hbm>>
    tpu.wait_dma2 semaphore(%arg6 : memref<!tpu.dma_semaphore, #tpu.memory_space<semaphore_mem>>) src(%dma_wait3A_36 : memref<56x1024xf32, #tpu.memory_space<hbm>>) dst(%dma_wait3A_34 : memref<56x1024xf32, #tpu.memory_space<vmem>>)
    %add3A_37 = arith.constant 0 : i32
    %add3A_38 = arith.addi %mul3A_2, %add3A_37 : i32
    %dma_start3A_39 = arith.constant 0 : i32
    %dma_start3A_40 = arith.constant 0 : i32
    %dma_start3A_41 = tpu.memref_slice %arg4[%dma_start3A_39, %dma_start3A_40] : memref<56x1024xf32, #tpu.memory_space<vmem>> -> memref<56x1024xf32, #tpu.memory_space<vmem>>
    %dma_start3A_42 = arith.constant 0 : i32
    %dma_start3A_43 = tpu.memref_slice %arg3[%add3A_38, %dma_start3A_42] : memref<16384x1024xf32, #tpu.memory_space<hbm>> -> memref<56x1024xf32, #tpu.memory_space<hbm>>
    %dma_start3A_44 = arith.constant 0 : i32
    %dma_start3A_45 = tpu.memref_slice %arg3[%add3A_38, %dma_start3A_44] : memref<16384x1024xf32, #tpu.memory_space<hbm>> -> memref<56x1024xf32, #tpu.memory_space<hbm>>
    %dma_start3A_46 = arith.constant 0 : i32
    %dma_start3A_47 = arith.constant 0 : i32
    %dma_start3A_48 = tpu.memref_slice %arg4[%dma_start3A_46, %dma_start3A_47] : memref<56x1024xf32, #tpu.memory_space<vmem>> -> memref<56x1024xf32, #tpu.memory_space<vmem>>
    tpu.enqueue_dma source(%dma_start3A_48 : memref<56x1024xf32, #tpu.memory_space<vmem>>) target(%dma_start3A_45 : memref<56x1024xf32, #tpu.memory_space<hbm>>) target_semaphore(%arg8 : memref<!tpu.dma_semaphore, #tpu.memory_space<semaphore_mem>>)
    %add3A_49 = arith.constant 0 : i32
    %add3A_50 = arith.addi %mul3A_2, %add3A_49 : i32
    %dma_wait3A_51 = arith.constant 0 : i32
    %dma_wait3A_52 = arith.constant 0 : i32
    %dma_wait3A_53 = tpu.memref_slice %arg4[%dma_wait3A_51, %dma_wait3A_52] : memref<56x1024xf32, #tpu.memory_space<vmem>> -> memref<56x1024xf32, #tpu.memory_space<vmem>>
    %dma_wait3A_54 = arith.constant 0 : i32
    %dma_wait3A_55 = tpu.memref_slice %arg3[%add3A_50, %dma_wait3A_54] : memref<16384x1024xf32, #tpu.memory_space<hbm>> -> memref<56x1024xf32, #tpu.memory_space<hbm>>
    %dma_wait3A_56 = arith.constant 0 : i32
    %dma_wait3A_57 = tpu.memref_slice %arg3[%add3A_50, %dma_wait3A_56] : memref<16384x1024xf32, #tpu.memory_space<hbm>> -> memref<56x1024xf32, #tpu.memory_space<hbm>>
    %dma_wait3A_58 = arith.constant 0 : i32
    %dma_wait3A_59 = arith.constant 0 : i32
    %dma_wait3A_60 = tpu.memref_slice %arg4[%dma_wait3A_58, %dma_wait3A_59] : memref<56x1024xf32, #tpu.memory_space<vmem>> -> memref<56x1024xf32, #tpu.memory_space<vmem>>
    tpu.wait_dma2 semaphore(%arg8 : memref<!tpu.dma_semaphore, #tpu.memory_space<semaphore_mem>>) src(%dma_wait3A_60 : memref<56x1024xf32, #tpu.memory_space<vmem>>) dst(%dma_wait3A_57 : memref<56x1024xf32, #tpu.memory_space<hbm>>)
    %add3A_61 = arith.constant 112 : i32
    %add3A_62 = arith.addi %mul3A_2, %add3A_61 : i32
    %dma_start3A_63 = arith.constant 0 : i32
    %dma_start3A_64 = arith.constant 0 : i32
    %dma_start3A_65 = tpu.memref_slice %arg4[%dma_start3A_63, %dma_start3A_64] : memref<56x1024xf32, #tpu.memory_space<vmem>> -> memref<56x1024xf32, #tpu.memory_space<vmem>>
    %dma_start3A_66 = arith.constant 0 : i32
    %dma_start3A_67 = tpu.memref_slice %arg2[%add3A_62, %dma_start3A_66] : memref<16384x1024xf32, #tpu.memory_space<hbm>> -> memref<56x1024xf32, #tpu.memory_space<hbm>>
    %dma_start3A_68 = arith.constant 0 : i32
    %dma_start3A_69 = arith.constant 0 : i32
    %dma_start3A_70 = tpu.memref_slice %arg4[%dma_start3A_68, %dma_start3A_69] : memref<56x1024xf32, #tpu.memory_space<vmem>> -> memref<56x1024xf32, #tpu.memory_space<vmem>>
    %dma_start3A_71 = arith.constant 0 : i32
    %dma_start3A_72 = tpu.memref_slice %arg2[%add3A_62, %dma_start3A_71] : memref<16384x1024xf32, #tpu.memory_space<hbm>> -> memref<56x1024xf32, #tpu.memory_space<hbm>>
    tpu.enqueue_dma source(%dma_start3A_72 : memref<56x1024xf32, #tpu.memory_space<hbm>>) target(%dma_start3A_70 : memref<56x1024xf32, #tpu.memory_space<vmem>>) target_semaphore(%arg6 : memref<!tpu.dma_semaphore, #tpu.memory_space<semaphore_mem>>)
    %add3A_73 = arith.constant 56 : i32
    %add3A_74 = arith.addi %mul3A_2, %add3A_73 : i32
    %dma_wait3A_75 = arith.constant 0 : i32
    %dma_wait3A_76 = arith.constant 0 : i32
    %dma_wait3A_77 = tpu.memref_slice %arg5[%dma_wait3A_75, %dma_wait3A_76] : memref<56x1024xf32, #tpu.memory_space<vmem>> -> memref<56x1024xf32, #tpu.memory_space<vmem>>
    %dma_wait3A_78 = arith.constant 0 : i32
    %dma_wait3A_79 = tpu.memref_slice %arg2[%add3A_74, %dma_wait3A_78] : memref<16384x1024xf32, #tpu.memory_space<hbm>> -> memref<56x1024xf32, #tpu.memory_space<hbm>>
    %dma_wait3A_80 = arith.constant 0 : i32
    %dma_wait3A_81 = arith.constant 0 : i32
    %dma_wait3A_82 = tpu.memref_slice %arg5[%dma_wait3A_80, %dma_wait3A_81] : memref<56x1024xf32, #tpu.memory_space<vmem>> -> memref<56x1024xf32, #tpu.memory_space<vmem>>
    %dma_wait3A_83 = arith.constant 0 : i32
    %dma_wait3A_84 = tpu.memref_slice %arg2[%add3A_74, %dma_wait3A_83] : memref<16384x1024xf32, #tpu.memory_space<hbm>> -> memref<56x1024xf32, #tpu.memory_space<hbm>>
    tpu.wait_dma2 semaphore(%arg7 : memref<!tpu.dma_semaphore, #tpu.memory_space<semaphore_mem>>) src(%dma_wait3A_84 : memref<56x1024xf32, #tpu.memory_space<hbm>>) dst(%dma_wait3A_82 : memref<56x1024xf32, #tpu.memory_space<vmem>>)
    %add3A_85 = arith.constant 56 : i32
    %add3A_86 = arith.addi %mul3A_2, %add3A_85 : i32
    %dma_start3A_87 = arith.constant 0 : i32
    %dma_start3A_88 = arith.constant 0 : i32
    %dma_start3A_89 = tpu.memref_slice %arg5[%dma_start3A_87, %dma_start3A_88] : memref<56x1024xf32, #tpu.memory_space<vmem>> -> memref<56x1024xf32, #tpu.memory_space<vmem>>
    %dma_start3A_90 = arith.constant 0 : i32
    %dma_start3A_91 = tpu.memref_slice %arg3[%add3A_86, %dma_start3A_90] : memref<16384x1024xf32, #tpu.memory_space<hbm>> -> memref<56x1024xf32, #tpu.memory_space<hbm>>
    %dma_start3A_92 = arith.constant 0 : i32
    %dma_start3A_93 = tpu.memref_slice %arg3[%add3A_86, %dma_start3A_92] : memref<16384x1024xf32, #tpu.memory_space<hbm>> -> memref<56x1024xf32, #tpu.memory_space<hbm>>
    %dma_start3A_94 = arith.constant 0 : i32
    %dma_start3A_95 = arith.constant 0 : i32
    %dma_start3A_96 = tpu.memref_slice %arg5[%dma_start3A_94, %dma_start3A_95] : memref<56x1024xf32, #tpu.memory_space<vmem>> -> memref<56x1024xf32, #tpu.memory_space<vmem>>
    tpu.enqueue_dma source(%dma_start3A_96 : memref<56x1024xf32, #tpu.memory_space<vmem>>) target(%dma_start3A_93 : memref<56x1024xf32, #tpu.memory_space<hbm>>) target_semaphore(%arg9 : memref<!tpu.dma_semaphore, #tpu.memory_space<semaphore_mem>>)
    %add3A_97 = arith.constant 56 : i32
    %add3A_98 = arith.addi %mul3A_2, %add3A_97 : i32
    %dma_wait3A_99 = arith.constant 0 : i32
    %dma_wait3A_100 = arith.constant 0 : i32
    %dma_wait3A_101 = tpu.memref_slice %arg5[%dma_wait3A_99, %dma_wait3A_100] : memref<56x1024xf32, #tpu.memory_space<vmem>> -> memref<56x1024xf32, #tpu.memory_space<vmem>>
    %dma_wait3A_102 = arith.constant 0 : i32
    %dma_wait3A_103 = tpu.memref_slice %arg3[%add3A_98, %dma_wait3A_102] : memref<16384x1024xf32, #tpu.memory_space<hbm>> -> memref<56x1024xf32, #tpu.memory_space<hbm>>
    %dma_wait3A_104 = arith.constant 0 : i32
    %dma_wait3A_105 = tpu.memref_slice %arg3[%add3A_98, %dma_wait3A_104] : memref<16384x1024xf32, #tpu.memory_space<hbm>> -> memref<56x1024xf32, #tpu.memory_space<hbm>>
    %dma_wait3A_106 = arith.constant 0 : i32
    %dma_wait3A_107 = arith.constant 0 : i32
    %dma_wait3A_108 = tpu.memref_slice %arg5[%dma_wait3A_106, %dma_wait3A_107] : memref<56x1024xf32, #tpu.memory_space<vmem>> -> memref<56x1024xf32, #tpu.memory_space<vmem>>
    tpu.wait_dma2 semaphore(%arg9 : memref<!tpu.dma_semaphore, #tpu.memory_space<semaphore_mem>>) src(%dma_wait3A_108 : memref<56x1024xf32, #tpu.memory_space<vmem>>) dst(%dma_wait3A_105 : memref<56x1024xf32, #tpu.memory_space<hbm>>)
    %add3A_109 = arith.constant 168 : i32
    %add3A_110 = arith.addi %mul3A_2, %add3A_109 : i32
    %dma_start3A_111 = arith.constant 0 : i32
    %dma_start3A_112 = arith.constant 0 : i32
    %dma_start3A_113 = tpu.memref_slice %arg5[%dma_start3A_111, %dma_start3A_112] : memref<56x1024xf32, #tpu.memory_space<vmem>> -> memref<56x1024xf32, #tpu.memory_space<vmem>>
    %dma_start3A_114 = arith.constant 0 : i32
    %dma_start3A_115 = tpu.memref_slice %arg2[%add3A_110, %dma_start3A_114] : memref<16384x1024xf32, #tpu.memory_space<hbm>> -> memref<56x1024xf32, #tpu.memory_space<hbm>>
    %dma_start3A_116 = arith.constant 0 : i32
    %dma_start3A_117 = arith.constant 0 : i32
    %dma_start3A_118 = tpu.memref_slice %arg5[%dma_start3A_116, %dma_start3A_117] : memref<56x1024xf32, #tpu.memory_space<vmem>> -> memref<56x1024xf32, #tpu.memory_space<vmem>>
    %dma_start3A_119 = arith.constant 0 : i32
    %dma_start3A_120 = tpu.memref_slice %arg2[%add3A_110, %dma_start3A_119] : memref<16384x1024xf32, #tpu.memory_space<hbm>> -> memref<56x1024xf32, #tpu.memory_space<hbm>>
    tpu.enqueue_dma source(%dma_start3A_120 : memref<56x1024xf32, #tpu.memory_space<hbm>>) target(%dma_start3A_118 : memref<56x1024xf32, #tpu.memory_space<vmem>>) target_semaphore(%arg7 : memref<!tpu.dma_semaphore, #tpu.memory_space<semaphore_mem>>)
    %add3A_121 = arith.constant 112 : i32
    %add3A_122 = arith.addi %mul3A_2, %add3A_121 : i32
    %dma_wait3A_123 = arith.constant 0 : i32
    %dma_wait3A_124 = arith.constant 0 : i32
    %dma_wait3A_125 = tpu.memref_slice %arg4[%dma_wait3A_123, %dma_wait3A_124] : memref<56x1024xf32, #tpu.memory_space<vmem>> -> memref<56x1024xf32, #tpu.memory_space<vmem>>
    %dma_wait3A_126 = arith.constant 0 : i32
    %dma_wait3A_127 = tpu.memref_slice %arg2[%add3A_122, %dma_wait3A_126] : memref<16384x1024xf32, #tpu.memory_space<hbm>> -> memref<56x1024xf32, #tpu.memory_space<hbm>>
    %dma_wait3A_128 = arith.constant 0 : i32
    %dma_wait3A_129 = arith.constant 0 : i32
    %dma_wait3A_130 = tpu.memref_slice %arg4[%dma_wait3A_128, %dma_wait3A_129] : memref<56x1024xf32, #tpu.memory_space<vmem>> -> memref<56x1024xf32, #tpu.memory_space<vmem>>
    %dma_wait3A_131 = arith.constant 0 : i32
    %dma_wait3A_132 = tpu.memref_slice %arg2[%add3A_122, %dma_wait3A_131] : memref<16384x1024xf32, #tpu.memory_space<hbm>> -> memref<56x1024xf32, #tpu.memory_space<hbm>>
    tpu.wait_dma2 semaphore(%arg6 : memref<!tpu.dma_semaphore, #tpu.memory_space<semaphore_mem>>) src(%dma_wait3A_132 : memref<56x1024xf32, #tpu.memory_space<hbm>>) dst(%dma_wait3A_130 : memref<56x1024xf32, #tpu.memory_space<vmem>>)
    %add3A_133 = arith.constant 112 : i32
    %add3A_134 = arith.addi %mul3A_2, %add3A_133 : i32
    %dma_start3A_135 = arith.constant 0 : i32
    %dma_start3A_136 = arith.constant 0 : i32
    %dma_start3A_137 = tpu.memref_slice %arg4[%dma_start3A_135, %dma_start3A_136] : memref<56x1024xf32, #tpu.memory_space<vmem>> -> memref<56x1024xf32, #tpu.memory_space<vmem>>
    %dma_start3A_138 = arith.constant 0 : i32
    %dma_start3A_139 = tpu.memref_slice %arg3[%add3A_134, %dma_start3A_138] : memref<16384x1024xf32, #tpu.memory_space<hbm>> -> memref<56x1024xf32, #tpu.memory_space<hbm>>
    %dma_start3A_140 = arith.constant 0 : i32
    %dma_start3A_141 = tpu.memref_slice %arg3[%add3A_134, %dma_start3A_140] : memref<16384x1024xf32, #tpu.memory_space<hbm>> -> memref<56x1024xf32, #tpu.memory_space<hbm>>
    %dma_start3A_142 = arith.constant 0 : i32
    %dma_start3A_143 = arith.constant 0 : i32
    %dma_start3A_144 = tpu.memref_slice %arg4[%dma_start3A_142, %dma_start3A_143] : memref<56x1024xf32, #tpu.memory_space<vmem>> -> memref<56x1024xf32, #tpu.memory_space<vmem>>
    tpu.enqueue_dma source(%dma_start3A_144 : memref<56x1024xf32, #tpu.memory_space<vmem>>) target(%dma_start3A_141 : memref<56x1024xf32, #tpu.memory_space<hbm>>) target_semaphore(%arg8 : memref<!tpu.dma_semaphore, #tpu.memory_space<semaphore_mem>>)
    %add3A_145 = arith.constant 112 : i32
    %add3A_146 = arith.addi %mul3A_2, %add3A_145 : i32
    %dma_wait3A_147 = arith.constant 0 : i32
    %dma_wait3A_148 = arith.constant 0 : i32
    %dma_wait3A_149 = tpu.memref_slice %arg4[%dma_wait3A_147, %dma_wait3A_148] : memref<56x1024xf32, #tpu.memory_space<vmem>> -> memref<56x1024xf32, #tpu.memory_space<vmem>>
    %dma_wait3A_150 = arith.constant 0 : i32
    %dma_wait3A_151 = tpu.memref_slice %arg3[%add3A_146, %dma_wait3A_150] : memref<16384x1024xf32, #tpu.memory_space<hbm>> -> memref<56x1024xf32, #tpu.memory_space<hbm>>
    %dma_wait3A_152 = arith.constant 0 : i32
    %dma_wait3A_153 = tpu.memref_slice %arg3[%add3A_146, %dma_wait3A_152] : memref<16384x1024xf32, #tpu.memory_space<hbm>> -> memref<56x1024xf32, #tpu.memory_space<hbm>>
    %dma_wait3A_154 = arith.constant 0 : i32
    %dma_wait3A_155 = arith.constant 0 : i32
    %dma_wait3A_156 = tpu.memref_slice %arg4[%dma_wait3A_154, %dma_wait3A_155] : memref<56x1024xf32, #tpu.memory_space<vmem>> -> memref<56x1024xf32, #tpu.memory_space<vmem>>
    tpu.wait_dma2 semaphore(%arg8 : memref<!tpu.dma_semaphore, #tpu.memory_space<semaphore_mem>>) src(%dma_wait3A_156 : memref<56x1024xf32, #tpu.memory_space<vmem>>) dst(%dma_wait3A_153 : memref<56x1024xf32, #tpu.memory_space<hbm>>)
    %add3A_157 = arith.constant 224 : i32
    %add3A_158 = arith.addi %mul3A_2, %add3A_157 : i32
    %dma_start3A_159 = arith.constant 0 : i32
    %dma_start3A_160 = arith.constant 0 : i32
    %dma_start3A_161 = tpu.memref_slice %arg4[%dma_start3A_159, %dma_start3A_160] : memref<56x1024xf32, #tpu.memory_space<vmem>> -> memref<56x1024xf32, #tpu.memory_space<vmem>>
    %dma_start3A_162 = arith.constant 0 : i32
    %dma_start3A_163 = tpu.memref_slice %arg2[%add3A_158, %dma_start3A_162] : memref<16384x1024xf32, #tpu.memory_space<hbm>> -> memref<56x1024xf32, #tpu.memory_space<hbm>>
    %dma_start3A_164 = arith.constant 0 : i32
    %dma_start3A_165 = arith.constant 0 : i32
    %dma_start3A_166 = tpu.memref_slice %arg4[%dma_start3A_164, %dma_start3A_165] : memref<56x1024xf32, #tpu.memory_space<vmem>> -> memref<56x1024xf32, #tpu.memory_space<vmem>>
    %dma_start3A_167 = arith.constant 0 : i32
    %dma_start3A_168 = tpu.memref_slice %arg2[%add3A_158, %dma_start3A_167] : memref<16384x1024xf32, #tpu.memory_space<hbm>> -> memref<56x1024xf32, #tpu.memory_space<hbm>>
    tpu.enqueue_dma source(%dma_start3A_168 : memref<56x1024xf32, #tpu.memory_space<hbm>>) target(%dma_start3A_166 : memref<56x1024xf32, #tpu.memory_space<vmem>>) target_semaphore(%arg6 : memref<!tpu.dma_semaphore, #tpu.memory_space<semaphore_mem>>)
    %add3A_169 = arith.constant 168 : i32
    %add3A_170 = arith.addi %mul3A_2, %add3A_169 : i32
    %dma_wait3A_171 = arith.constant 0 : i32
    %dma_wait3A_172 = arith.constant 0 : i32
    %dma_wait3A_173 = tpu.memref_slice %arg5[%dma_wait3A_171, %dma_wait3A_172] : memref<56x1024xf32, #tpu.memory_space<vmem>> -> memref<56x1024xf32, #tpu.memory_space<vmem>>
    %dma_wait3A_174 = arith.constant 0 : i32
    %dma_wait3A_175 = tpu.memref_slice %arg2[%add3A_170, %dma_wait3A_174] : memref<16384x1024xf32, #tpu.memory_space<hbm>> -> memref<56x1024xf32, #tpu.memory_space<hbm>>
    %dma_wait3A_176 = arith.constant 0 : i32
    %dma_wait3A_177 = arith.constant 0 : i32
    %dma_wait3A_178 = tpu.memref_slice %arg5[%dma_wait3A_176, %dma_wait3A_177] : memref<56x1024xf32, #tpu.memory_space<vmem>> -> memref<56x1024xf32, #tpu.memory_space<vmem>>
    %dma_wait3A_179 = arith.constant 0 : i32
    %dma_wait3A_180 = tpu.memref_slice %arg2[%add3A_170, %dma_wait3A_179] : memref<16384x1024xf32, #tpu.memory_space<hbm>> -> memref<56x1024xf32, #tpu.memory_space<hbm>>
    tpu.wait_dma2 semaphore(%arg7 : memref<!tpu.dma_semaphore, #tpu.memory_space<semaphore_mem>>) src(%dma_wait3A_180 : memref<56x1024xf32, #tpu.memory_space<hbm>>) dst(%dma_wait3A_178 : memref<56x1024xf32, #tpu.memory_space<vmem>>)
    %add3A_181 = arith.constant 168 : i32
    %add3A_182 = arith.addi %mul3A_2, %add3A_181 : i32
    %dma_start3A_183 = arith.constant 0 : i32
    %dma_start3A_184 = arith.constant 0 : i32
    %dma_start3A_185 = tpu.memref_slice %arg5[%dma_start3A_183, %dma_start3A_184] : memref<56x1024xf32, #tpu.memory_space<vmem>> -> memref<56x1024xf32, #tpu.memory_space<vmem>>
    %dma_start3A_186 = arith.constant 0 : i32
    %dma_start3A_187 = tpu.memref_slice %arg3[%add3A_182, %dma_start3A_186] : memref<16384x1024xf32, #tpu.memory_space<hbm>> -> memref<56x1024xf32, #tpu.memory_space<hbm>>
    %dma_start3A_188 = arith.constant 0 : i32
    %dma_start3A_189 = tpu.memref_slice %arg3[%add3A_182, %dma_start3A_188] : memref<16384x1024xf32, #tpu.memory_space<hbm>> -> memref<56x1024xf32, #tpu.memory_space<hbm>>
    %dma_start3A_190 = arith.constant 0 : i32
    %dma_start3A_191 = arith.constant 0 : i32
    %dma_start3A_192 = tpu.memref_slice %arg5[%dma_start3A_190, %dma_start3A_191] : memref<56x1024xf32, #tpu.memory_space<vmem>> -> memref<56x1024xf32, #tpu.memory_space<vmem>>
    tpu.enqueue_dma source(%dma_start3A_192 : memref<56x1024xf32, #tpu.memory_space<vmem>>) target(%dma_start3A_189 : memref<56x1024xf32, #tpu.memory_space<hbm>>) target_semaphore(%arg9 : memref<!tpu.dma_semaphore, #tpu.memory_space<semaphore_mem>>)
    %add3A_193 = arith.constant 168 : i32
    %add3A_194 = arith.addi %mul3A_2, %add3A_193 : i32
    %dma_wait3A_195 = arith.constant 0 : i32
    %dma_wait3A_196 = arith.constant 0 : i32
    %dma_wait3A_197 = tpu.memref_slice %arg5[%dma_wait3A_195, %dma_wait3A_196] : memref<56x1024xf32, #tpu.memory_space<vmem>> -> memref<56x1024xf32, #tpu.memory_space<vmem>>
    %dma_wait3A_198 = arith.constant 0 : i32
    %dma_wait3A_199 = tpu.memref_slice %arg3[%add3A_194, %dma_wait3A_198] : memref<16384x1024xf32, #tpu.memory_space<hbm>> -> memref<56x1024xf32, #tpu.memory_space<hbm>>
    %dma_wait3A_200 = arith.constant 0 : i32
    %dma_wait3A_201 = tpu.memref_slice %arg3[%add3A_194, %dma_wait3A_200] : memref<16384x1024xf32, #tpu.memory_space<hbm>> -> memref<56x1024xf32, #tpu.memory_space<hbm>>
    %dma_wait3A_202 = arith.constant 0 : i32
    %dma_wait3A_203 = arith.constant 0 : i32
    %dma_wait3A_204 = tpu.memref_slice %arg5[%dma_wait3A_202, %dma_wait3A_203] : memref<56x1024xf32, #tpu.memory_space<vmem>> -> memref<56x1024xf32, #tpu.memory_space<vmem>>
    tpu.wait_dma2 semaphore(%arg9 : memref<!tpu.dma_semaphore, #tpu.memory_space<semaphore_mem>>) src(%dma_wait3A_204 : memref<56x1024xf32, #tpu.memory_space<vmem>>) dst(%dma_wait3A_201 : memref<56x1024xf32, #tpu.memory_space<hbm>>)
    %add3A_205 = arith.constant 280 : i32
    %add3A_206 = arith.addi %mul3A_2, %add3A_205 : i32
    %dma_start3A_207 = arith.constant 0 : i32
    %dma_start3A_208 = arith.constant 0 : i32
    %dma_start3A_209 = tpu.memref_slice %arg5[%dma_start3A_207, %dma_start3A_208] : memref<56x1024xf32, #tpu.memory_space<vmem>> -> memref<56x1024xf32, #tpu.memory_space<vmem>>
    %dma_start3A_210 = arith.constant 0 : i32
    %dma_start3A_211 = tpu.memref_slice %arg2[%add3A_206, %dma_start3A_210] : memref<16384x1024xf32, #tpu.memory_space<hbm>> -> memref<56x1024xf32, #tpu.memory_space<hbm>>
    %dma_start3A_212 = arith.constant 0 : i32
    %dma_start3A_213 = arith.constant 0 : i32
    %dma_start3A_214 = tpu.memref_slice %arg5[%dma_start3A_212, %dma_start3A_213] : memref<56x1024xf32, #tpu.memory_space<vmem>> -> memref<56x1024xf32, #tpu.memory_space<vmem>>
    %dma_start3A_215 = arith.constant 0 : i32
    %dma_start3A_216 = tpu.memref_slice %arg2[%add3A_206, %dma_start3A_215] : memref<16384x1024xf32, #tpu.memory_space<hbm>> -> memref<56x1024xf32, #tpu.memory_space<hbm>>
    tpu.enqueue_dma source(%dma_start3A_216 : memref<56x1024xf32, #tpu.memory_space<hbm>>) target(%dma_start3A_214 : memref<56x1024xf32, #tpu.memory_space<vmem>>) target_semaphore(%arg7 : memref<!tpu.dma_semaphore, #tpu.memory_space<semaphore_mem>>)
    %add3A_217 = arith.constant 224 : i32
    %add3A_218 = arith.addi %mul3A_2, %add3A_217 : i32
    %dma_wait3A_219 = arith.constant 0 : i32
    %dma_wait3A_220 = arith.constant 0 : i32
    %dma_wait3A_221 = tpu.memref_slice %arg4[%dma_wait3A_219, %dma_wait3A_220] : memref<56x1024xf32, #tpu.memory_space<vmem>> -> memref<56x1024xf32, #tpu.memory_space<vmem>>
    %dma_wait3A_222 = arith.constant 0 : i32
    %dma_wait3A_223 = tpu.memref_slice %arg2[%add3A_218, %dma_wait3A_222] : memref<16384x1024xf32, #tpu.memory_space<hbm>> -> memref<56x1024xf32, #tpu.memory_space<hbm>>
    %dma_wait3A_224 = arith.constant 0 : i32
    %dma_wait3A_225 = arith.constant 0 : i32
    %dma_wait3A_226 = tpu.memref_slice %arg4[%dma_wait3A_224, %dma_wait3A_225] : memref<56x1024xf32, #tpu.memory_space<vmem>> -> memref<56x1024xf32, #tpu.memory_space<vmem>>
    %dma_wait3A_227 = arith.constant 0 : i32
    %dma_wait3A_228 = tpu.memref_slice %arg2[%add3A_218, %dma_wait3A_227] : memref<16384x1024xf32, #tpu.memory_space<hbm>> -> memref<56x1024xf32, #tpu.memory_space<hbm>>
    tpu.wait_dma2 semaphore(%arg6 : memref<!tpu.dma_semaphore, #tpu.memory_space<semaphore_mem>>) src(%dma_wait3A_228 : memref<56x1024xf32, #tpu.memory_space<hbm>>) dst(%dma_wait3A_226 : memref<56x1024xf32, #tpu.memory_space<vmem>>)
    %add3A_229 = arith.constant 224 : i32
    %add3A_230 = arith.addi %mul3A_2, %add3A_229 : i32
    %dma_start3A_231 = arith.constant 0 : i32
    %dma_start3A_232 = arith.constant 0 : i32
    %dma_start3A_233 = tpu.memref_slice %arg4[%dma_start3A_231, %dma_start3A_232] : memref<56x1024xf32, #tpu.memory_space<vmem>> -> memref<56x1024xf32, #tpu.memory_space<vmem>>
    %dma_start3A_234 = arith.constant 0 : i32
    %dma_start3A_235 = tpu.memref_slice %arg3[%add3A_230, %dma_start3A_234] : memref<16384x1024xf32, #tpu.memory_space<hbm>> -> memref<56x1024xf32, #tpu.memory_space<hbm>>
    %dma_start3A_236 = arith.constant 0 : i32
    %dma_start3A_237 = tpu.memref_slice %arg3[%add3A_230, %dma_start3A_236] : memref<16384x1024xf32, #tpu.memory_space<hbm>> -> memref<56x1024xf32, #tpu.memory_space<hbm>>
    %dma_start3A_238 = arith.constant 0 : i32
    %dma_start3A_239 = arith.constant 0 : i32
    %dma_start3A_240 = tpu.memref_slice %arg4[%dma_start3A_238, %dma_start3A_239] : memref<56x1024xf32, #tpu.memory_space<vmem>> -> memref<56x1024xf32, #tpu.memory_space<vmem>>
    tpu.enqueue_dma source(%dma_start3A_240 : memref<56x1024xf32, #tpu.memory_space<vmem>>) target(%dma_start3A_237 : memref<56x1024xf32, #tpu.memory_space<hbm>>) target_semaphore(%arg8 : memref<!tpu.dma_semaphore, #tpu.memory_space<semaphore_mem>>)
    %add3A_241 = arith.constant 224 : i32
    %add3A_242 = arith.addi %mul3A_2, %add3A_241 : i32
    %dma_wait3A_243 = arith.constant 0 : i32
    %dma_wait3A_244 = arith.constant 0 : i32
    %dma_wait3A_245 = tpu.memref_slice %arg4[%dma_wait3A_243, %dma_wait3A_244] : memref<56x1024xf32, #tpu.memory_space<vmem>> -> memref<56x1024xf32, #tpu.memory_space<vmem>>
    %dma_wait3A_246 = arith.constant 0 : i32
    %dma_wait3A_247 = tpu.memref_slice %arg3[%add3A_242, %dma_wait3A_246] : memref<16384x1024xf32, #tpu.memory_space<hbm>> -> memref<56x1024xf32, #tpu.memory_space<hbm>>
    %dma_wait3A_248 = arith.constant 0 : i32
    %dma_wait3A_249 = tpu.memref_slice %arg3[%add3A_242, %dma_wait3A_248] : memref<16384x1024xf32, #tpu.memory_space<hbm>> -> memref<56x1024xf32, #tpu.memory_space<hbm>>
    %dma_wait3A_250 = arith.constant 0 : i32
    %dma_wait3A_251 = arith.constant 0 : i32
    %dma_wait3A_252 = tpu.memref_slice %arg4[%dma_wait3A_250, %dma_wait3A_251] : memref<56x1024xf32, #tpu.memory_space<vmem>> -> memref<56x1024xf32, #tpu.memory_space<vmem>>
    tpu.wait_dma2 semaphore(%arg8 : memref<!tpu.dma_semaphore, #tpu.memory_space<semaphore_mem>>) src(%dma_wait3A_252 : memref<56x1024xf32, #tpu.memory_space<vmem>>) dst(%dma_wait3A_249 : memref<56x1024xf32, #tpu.memory_space<hbm>>)
    %add3A_253 = arith.constant 336 : i32
    %add3A_254 = arith.addi %mul3A_2, %add3A_253 : i32
    %dma_start3A_255 = arith.constant 0 : i32
    %dma_start3A_256 = arith.constant 0 : i32
    %dma_start3A_257 = tpu.memref_slice %arg4[%dma_start3A_255, %dma_start3A_256] : memref<56x1024xf32, #tpu.memory_space<vmem>> -> memref<56x1024xf32, #tpu.memory_space<vmem>>
    %dma_start3A_258 = arith.constant 0 : i32
    %dma_start3A_259 = tpu.memref_slice %arg2[%add3A_254, %dma_start3A_258] : memref<16384x1024xf32, #tpu.memory_space<hbm>> -> memref<56x1024xf32, #tpu.memory_space<hbm>>
    %dma_start3A_260 = arith.constant 0 : i32
    %dma_start3A_261 = arith.constant 0 : i32
    %dma_start3A_262 = tpu.memref_slice %arg4[%dma_start3A_260, %dma_start3A_261] : memref<56x1024xf32, #tpu.memory_space<vmem>> -> memref<56x1024xf32, #tpu.memory_space<vmem>>
    %dma_start3A_263 = arith.constant 0 : i32
    %dma_start3A_264 = tpu.memref_slice %arg2[%add3A_254, %dma_start3A_263] : memref<16384x1024xf32, #tpu.memory_space<hbm>> -> memref<56x1024xf32, #tpu.memory_space<hbm>>
    tpu.enqueue_dma source(%dma_start3A_264 : memref<56x1024xf32, #tpu.memory_space<hbm>>) target(%dma_start3A_262 : memref<56x1024xf32, #tpu.memory_space<vmem>>) target_semaphore(%arg6 : memref<!tpu.dma_semaphore, #tpu.memory_space<semaphore_mem>>)
    %add3A_265 = arith.constant 280 : i32
    %add3A_266 = arith.addi %mul3A_2, %add3A_265 : i32
    %dma_wait3A_267 = arith.constant 0 : i32
    %dma_wait3A_268 = arith.constant 0 : i32
    %dma_wait3A_269 = tpu.memref_slice %arg5[%dma_wait3A_267, %dma_wait3A_268] : memref<56x1024xf32, #tpu.memory_space<vmem>> -> memref<56x1024xf32, #tpu.memory_space<vmem>>
    %dma_wait3A_270 = arith.constant 0 : i32
    %dma_wait3A_271 = tpu.memref_slice %arg2[%add3A_266, %dma_wait3A_270] : memref<16384x1024xf32, #tpu.memory_space<hbm>> -> memref<56x1024xf32, #tpu.memory_space<hbm>>
    %dma_wait3A_272 = arith.constant 0 : i32
    %dma_wait3A_273 = arith.constant 0 : i32
    %dma_wait3A_274 = tpu.memref_slice %arg5[%dma_wait3A_272, %dma_wait3A_273] : memref<56x1024xf32, #tpu.memory_space<vmem>> -> memref<56x1024xf32, #tpu.memory_space<vmem>>
    %dma_wait3A_275 = arith.constant 0 : i32
    %dma_wait3A_276 = tpu.memref_slice %arg2[%add3A_266, %dma_wait3A_275] : memref<16384x1024xf32, #tpu.memory_space<hbm>> -> memref<56x1024xf32, #tpu.memory_space<hbm>>
    tpu.wait_dma2 semaphore(%arg7 : memref<!tpu.dma_semaphore, #tpu.memory_space<semaphore_mem>>) src(%dma_wait3A_276 : memref<56x1024xf32, #tpu.memory_space<hbm>>) dst(%dma_wait3A_274 : memref<56x1024xf32, #tpu.memory_space<vmem>>)
    %add3A_277 = arith.constant 280 : i32
    %add3A_278 = arith.addi %mul3A_2, %add3A_277 : i32
    %dma_start3A_279 = arith.constant 0 : i32
    %dma_start3A_280 = arith.constant 0 : i32
    %dma_start3A_281 = tpu.memref_slice %arg5[%dma_start3A_279, %dma_start3A_280] : memref<56x1024xf32, #tpu.memory_space<vmem>> -> memref<56x1024xf32, #tpu.memory_space<vmem>>
    %dma_start3A_282 = arith.constant 0 : i32
    %dma_start3A_283 = tpu.memref_slice %arg3[%add3A_278, %dma_start3A_282] : memref<16384x1024xf32, #tpu.memory_space<hbm>> -> memref<56x1024xf32, #tpu.memory_space<hbm>>
    %dma_start3A_284 = arith.constant 0 : i32
    %dma_start3A_285 = tpu.memref_slice %arg3[%add3A_278, %dma_start3A_284] : memref<16384x1024xf32, #tpu.memory_space<hbm>> -> memref<56x1024xf32, #tpu.memory_space<hbm>>
    %dma_start3A_286 = arith.constant 0 : i32
    %dma_start3A_287 = arith.constant 0 : i32
    %dma_start3A_288 = tpu.memref_slice %arg5[%dma_start3A_286, %dma_start3A_287] : memref<56x1024xf32, #tpu.memory_space<vmem>> -> memref<56x1024xf32, #tpu.memory_space<vmem>>
    tpu.enqueue_dma source(%dma_start3A_288 : memref<56x1024xf32, #tpu.memory_space<vmem>>) target(%dma_start3A_285 : memref<56x1024xf32, #tpu.memory_space<hbm>>) target_semaphore(%arg9 : memref<!tpu.dma_semaphore, #tpu.memory_space<semaphore_mem>>)
    %add3A_289 = arith.constant 280 : i32
    %add3A_290 = arith.addi %mul3A_2, %add3A_289 : i32
    %dma_wait3A_291 = arith.constant 0 : i32
    %dma_wait3A_292 = arith.constant 0 : i32
    %dma_wait3A_293 = tpu.memref_slice %arg5[%dma_wait3A_291, %dma_wait3A_292] : memref<56x1024xf32, #tpu.memory_space<vmem>> -> memref<56x1024xf32, #tpu.memory_space<vmem>>
    %dma_wait3A_294 = arith.constant 0 : i32
    %dma_wait3A_295 = tpu.memref_slice %arg3[%add3A_290, %dma_wait3A_294] : memref<16384x1024xf32, #tpu.memory_space<hbm>> -> memref<56x1024xf32, #tpu.memory_space<hbm>>
    %dma_wait3A_296 = arith.constant 0 : i32
    %dma_wait3A_297 = tpu.memref_slice %arg3[%add3A_290, %dma_wait3A_296] : memref<16384x1024xf32, #tpu.memory_space<hbm>> -> memref<56x1024xf32, #tpu.memory_space<hbm>>
    %dma_wait3A_298 = arith.constant 0 : i32
    %dma_wait3A_299 = arith.constant 0 : i32
    %dma_wait3A_300 = tpu.memref_slice %arg5[%dma_wait3A_298, %dma_wait3A_299] : memref<56x1024xf32, #tpu.memory_space<vmem>> -> memref<56x1024xf32, #tpu.memory_space<vmem>>
    tpu.wait_dma2 semaphore(%arg9 : memref<!tpu.dma_semaphore, #tpu.memory_space<semaphore_mem>>) src(%dma_wait3A_300 : memref<56x1024xf32, #tpu.memory_space<vmem>>) dst(%dma_wait3A_297 : memref<56x1024xf32, #tpu.memory_space<hbm>>)
    %add3A_301 = arith.constant 392 : i32
    %add3A_302 = arith.addi %mul3A_2, %add3A_301 : i32
    %dma_start3A_303 = arith.constant 0 : i32
    %dma_start3A_304 = arith.constant 0 : i32
    %dma_start3A_305 = tpu.memref_slice %arg5[%dma_start3A_303, %dma_start3A_304] : memref<56x1024xf32, #tpu.memory_space<vmem>> -> memref<56x1024xf32, #tpu.memory_space<vmem>>
    %dma_start3A_306 = arith.constant 0 : i32
    %dma_start3A_307 = tpu.memref_slice %arg2[%add3A_302, %dma_start3A_306] : memref<16384x1024xf32, #tpu.memory_space<hbm>> -> memref<56x1024xf32, #tpu.memory_space<hbm>>
    %dma_start3A_308 = arith.constant 0 : i32
    %dma_start3A_309 = arith.constant 0 : i32
    %dma_start3A_310 = tpu.memref_slice %arg5[%dma_start3A_308, %dma_start3A_309] : memref<56x1024xf32, #tpu.memory_space<vmem>> -> memref<56x1024xf32, #tpu.memory_space<vmem>>
    %dma_start3A_311 = arith.constant 0 : i32
    %dma_start3A_312 = tpu.memref_slice %arg2[%add3A_302, %dma_start3A_311] : memref<16384x1024xf32, #tpu.memory_space<hbm>> -> memref<56x1024xf32, #tpu.memory_space<hbm>>
    tpu.enqueue_dma source(%dma_start3A_312 : memref<56x1024xf32, #tpu.memory_space<hbm>>) target(%dma_start3A_310 : memref<56x1024xf32, #tpu.memory_space<vmem>>) target_semaphore(%arg7 : memref<!tpu.dma_semaphore, #tpu.memory_space<semaphore_mem>>)
    %add3A_313 = arith.constant 336 : i32
    %add3A_314 = arith.addi %mul3A_2, %add3A_313 : i32
    %dma_wait3A_315 = arith.constant 0 : i32
    %dma_wait3A_316 = arith.constant 0 : i32
    %dma_wait3A_317 = tpu.memref_slice %arg4[%dma_wait3A_315, %dma_wait3A_316] : memref<56x1024xf32, #tpu.memory_space<vmem>> -> memref<56x1024xf32, #tpu.memory_space<vmem>>
    %dma_wait3A_318 = arith.constant 0 : i32
    %dma_wait3A_319 = tpu.memref_slice %arg2[%add3A_314, %dma_wait3A_318] : memref<16384x1024xf32, #tpu.memory_space<hbm>> -> memref<56x1024xf32, #tpu.memory_space<hbm>>
    %dma_wait3A_320 = arith.constant 0 : i32
    %dma_wait3A_321 = arith.constant 0 : i32
    %dma_wait3A_322 = tpu.memref_slice %arg4[%dma_wait3A_320, %dma_wait3A_321] : memref<56x1024xf32, #tpu.memory_space<vmem>> -> memref<56x1024xf32, #tpu.memory_space<vmem>>
    %dma_wait3A_323 = arith.constant 0 : i32
    %dma_wait3A_324 = tpu.memref_slice %arg2[%add3A_314, %dma_wait3A_323] : memref<16384x1024xf32, #tpu.memory_space<hbm>> -> memref<56x1024xf32, #tpu.memory_space<hbm>>
    tpu.wait_dma2 semaphore(%arg6 : memref<!tpu.dma_semaphore, #tpu.memory_space<semaphore_mem>>) src(%dma_wait3A_324 : memref<56x1024xf32, #tpu.memory_space<hbm>>) dst(%dma_wait3A_322 : memref<56x1024xf32, #tpu.memory_space<vmem>>)
    %add3A_325 = arith.constant 336 : i32
    %add3A_326 = arith.addi %mul3A_2, %add3A_325 : i32
    %dma_start3A_327 = arith.constant 0 : i32
    %dma_start3A_328 = arith.constant 0 : i32
    %dma_start3A_329 = tpu.memref_slice %arg4[%dma_start3A_327, %dma_start3A_328] : memref<56x1024xf32, #tpu.memory_space<vmem>> -> memref<56x1024xf32, #tpu.memory_space<vmem>>
    %dma_start3A_330 = arith.constant 0 : i32
    %dma_start3A_331 = tpu.memref_slice %arg3[%add3A_326, %dma_start3A_330] : memref<16384x1024xf32, #tpu.memory_space<hbm>> -> memref<56x1024xf32, #tpu.memory_space<hbm>>
    %dma_start3A_332 = arith.constant 0 : i32
    %dma_start3A_333 = tpu.memref_slice %arg3[%add3A_326, %dma_start3A_332] : memref<16384x1024xf32, #tpu.memory_space<hbm>> -> memref<56x1024xf32, #tpu.memory_space<hbm>>
    %dma_start3A_334 = arith.constant 0 : i32
    %dma_start3A_335 = arith.constant 0 : i32
    %dma_start3A_336 = tpu.memref_slice %arg4[%dma_start3A_334, %dma_start3A_335] : memref<56x1024xf32, #tpu.memory_space<vmem>> -> memref<56x1024xf32, #tpu.memory_space<vmem>>
    tpu.enqueue_dma source(%dma_start3A_336 : memref<56x1024xf32, #tpu.memory_space<vmem>>) target(%dma_start3A_333 : memref<56x1024xf32, #tpu.memory_space<hbm>>) target_semaphore(%arg8 : memref<!tpu.dma_semaphore, #tpu.memory_space<semaphore_mem>>)
    %add3A_337 = arith.constant 336 : i32
    %add3A_338 = arith.addi %mul3A_2, %add3A_337 : i32
    %dma_wait3A_339 = arith.constant 0 : i32
    %dma_wait3A_340 = arith.constant 0 : i32
    %dma_wait3A_341 = tpu.memref_slice %arg4[%dma_wait3A_339, %dma_wait3A_340] : memref<56x1024xf32, #tpu.memory_space<vmem>> -> memref<56x1024xf32, #tpu.memory_space<vmem>>
    %dma_wait3A_342 = arith.constant 0 : i32
    %dma_wait3A_343 = tpu.memref_slice %arg3[%add3A_338, %dma_wait3A_342] : memref<16384x1024xf32, #tpu.memory_space<hbm>> -> memref<56x1024xf32, #tpu.memory_space<hbm>>
    %dma_wait3A_344 = arith.constant 0 : i32
    %dma_wait3A_345 = tpu.memref_slice %arg3[%add3A_338, %dma_wait3A_344] : memref<16384x1024xf32, #tpu.memory_space<hbm>> -> memref<56x1024xf32, #tpu.memory_space<hbm>>
    %dma_wait3A_346 = arith.constant 0 : i32
    %dma_wait3A_347 = arith.constant 0 : i32
    %dma_wait3A_348 = tpu.memref_slice %arg4[%dma_wait3A_346, %dma_wait3A_347] : memref<56x1024xf32, #tpu.memory_space<vmem>> -> memref<56x1024xf32, #tpu.memory_space<vmem>>
    tpu.wait_dma2 semaphore(%arg8 : memref<!tpu.dma_semaphore, #tpu.memory_space<semaphore_mem>>) src(%dma_wait3A_348 : memref<56x1024xf32, #tpu.memory_space<vmem>>) dst(%dma_wait3A_345 : memref<56x1024xf32, #tpu.memory_space<hbm>>)
    %add3A_349 = arith.constant 448 : i32
    %add3A_350 = arith.addi %mul3A_2, %add3A_349 : i32
    %dma_start3A_351 = arith.constant 0 : i32
    %dma_start3A_352 = arith.constant 0 : i32
    %dma_start3A_353 = tpu.memref_slice %arg4[%dma_start3A_351, %dma_start3A_352] : memref<56x1024xf32, #tpu.memory_space<vmem>> -> memref<56x1024xf32, #tpu.memory_space<vmem>>
    %dma_start3A_354 = arith.constant 0 : i32
    %dma_start3A_355 = tpu.memref_slice %arg2[%add3A_350, %dma_start3A_354] : memref<16384x1024xf32, #tpu.memory_space<hbm>> -> memref<56x1024xf32, #tpu.memory_space<hbm>>
    %dma_start3A_356 = arith.constant 0 : i32
    %dma_start3A_357 = arith.constant 0 : i32
    %dma_start3A_358 = tpu.memref_slice %arg4[%dma_start3A_356, %dma_start3A_357] : memref<56x1024xf32, #tpu.memory_space<vmem>> -> memref<56x1024xf32, #tpu.memory_space<vmem>>
    %dma_start3A_359 = arith.constant 0 : i32
    %dma_start3A_360 = tpu.memref_slice %arg2[%add3A_350, %dma_start3A_359] : memref<16384x1024xf32, #tpu.memory_space<hbm>> -> memref<56x1024xf32, #tpu.memory_space<hbm>>
    tpu.enqueue_dma source(%dma_start3A_360 : memref<56x1024xf32, #tpu.memory_space<hbm>>) target(%dma_start3A_358 : memref<56x1024xf32, #tpu.memory_space<vmem>>) target_semaphore(%arg6 : memref<!tpu.dma_semaphore, #tpu.memory_space<semaphore_mem>>)
    %add3A_361 = arith.constant 392 : i32
    %add3A_362 = arith.addi %mul3A_2, %add3A_361 : i32
    %dma_wait3A_363 = arith.constant 0 : i32
    %dma_wait3A_364 = arith.constant 0 : i32
    %dma_wait3A_365 = tpu.memref_slice %arg5[%dma_wait3A_363, %dma_wait3A_364] : memref<56x1024xf32, #tpu.memory_space<vmem>> -> memref<56x1024xf32, #tpu.memory_space<vmem>>
    %dma_wait3A_366 = arith.constant 0 : i32
    %dma_wait3A_367 = tpu.memref_slice %arg2[%add3A_362, %dma_wait3A_366] : memref<16384x1024xf32, #tpu.memory_space<hbm>> -> memref<56x1024xf32, #tpu.memory_space<hbm>>
    %dma_wait3A_368 = arith.constant 0 : i32
    %dma_wait3A_369 = arith.constant 0 : i32
    %dma_wait3A_370 = tpu.memref_slice %arg5[%dma_wait3A_368, %dma_wait3A_369] : memref<56x1024xf32, #tpu.memory_space<vmem>> -> memref<56x1024xf32, #tpu.memory_space<vmem>>
    %dma_wait3A_371 = arith.constant 0 : i32
    %dma_wait3A_372 = tpu.memref_slice %arg2[%add3A_362, %dma_wait3A_371] : memref<16384x1024xf32, #tpu.memory_space<hbm>> -> memref<56x1024xf32, #tpu.memory_space<hbm>>
    tpu.wait_dma2 semaphore(%arg7 : memref<!tpu.dma_semaphore, #tpu.memory_space<semaphore_mem>>) src(%dma_wait3A_372 : memref<56x1024xf32, #tpu.memory_space<hbm>>) dst(%dma_wait3A_370 : memref<56x1024xf32, #tpu.memory_space<vmem>>)
    %add3A_373 = arith.constant 392 : i32
    %add3A_374 = arith.addi %mul3A_2, %add3A_373 : i32
    %dma_start3A_375 = arith.constant 0 : i32
    %dma_start3A_376 = arith.constant 0 : i32
    %dma_start3A_377 = tpu.memref_slice %arg5[%dma_start3A_375, %dma_start3A_376] : memref<56x1024xf32, #tpu.memory_space<vmem>> -> memref<56x1024xf32, #tpu.memory_space<vmem>>
    %dma_start3A_378 = arith.constant 0 : i32
    %dma_start3A_379 = tpu.memref_slice %arg3[%add3A_374, %dma_start3A_378] : memref<16384x1024xf32, #tpu.memory_space<hbm>> -> memref<56x1024xf32, #tpu.memory_space<hbm>>
    %dma_start3A_380 = arith.constant 0 : i32
    %dma_start3A_381 = tpu.memref_slice %arg3[%add3A_374, %dma_start3A_380] : memref<16384x1024xf32, #tpu.memory_space<hbm>> -> memref<56x1024xf32, #tpu.memory_space<hbm>>
    %dma_start3A_382 = arith.constant 0 : i32
    %dma_start3A_383 = arith.constant 0 : i32
    %dma_start3A_384 = tpu.memref_slice %arg5[%dma_start3A_382, %dma_start3A_383] : memref<56x1024xf32, #tpu.memory_space<vmem>> -> memref<56x1024xf32, #tpu.memory_space<vmem>>
    tpu.enqueue_dma source(%dma_start3A_384 : memref<56x1024xf32, #tpu.memory_space<vmem>>) target(%dma_start3A_381 : memref<56x1024xf32, #tpu.memory_space<hbm>>) target_semaphore(%arg9 : memref<!tpu.dma_semaphore, #tpu.memory_space<semaphore_mem>>)
    %add3A_385 = arith.constant 392 : i32
    %add3A_386 = arith.addi %mul3A_2, %add3A_385 : i32
    %dma_wait3A_387 = arith.constant 0 : i32
    %dma_wait3A_388 = arith.constant 0 : i32
    %dma_wait3A_389 = tpu.memref_slice %arg5[%dma_wait3A_387, %dma_wait3A_388] : memref<56x1024xf32, #tpu.memory_space<vmem>> -> memref<56x1024xf32, #tpu.memory_space<vmem>>
    %dma_wait3A_390 = arith.constant 0 : i32
    %dma_wait3A_391 = tpu.memref_slice %arg3[%add3A_386, %dma_wait3A_390] : memref<16384x1024xf32, #tpu.memory_space<hbm>> -> memref<56x1024xf32, #tpu.memory_space<hbm>>
    %dma_wait3A_392 = arith.constant 0 : i32
    %dma_wait3A_393 = tpu.memref_slice %arg3[%add3A_386, %dma_wait3A_392] : memref<16384x1024xf32, #tpu.memory_space<hbm>> -> memref<56x1024xf32, #tpu.memory_space<hbm>>
    %dma_wait3A_394 = arith.constant 0 : i32
    %dma_wait3A_395 = arith.constant 0 : i32
    %dma_wait3A_396 = tpu.memref_slice %arg5[%dma_wait3A_394, %dma_wait3A_395] : memref<56x1024xf32, #tpu.memory_space<vmem>> -> memref<56x1024xf32, #tpu.memory_space<vmem>>
    tpu.wait_dma2 semaphore(%arg9 : memref<!tpu.dma_semaphore, #tpu.memory_space<semaphore_mem>>) src(%dma_wait3A_396 : memref<56x1024xf32, #tpu.memory_space<vmem>>) dst(%dma_wait3A_393 : memref<56x1024xf32, #tpu.memory_space<hbm>>)
    %add3A_397 = arith.constant 504 : i32
    %add3A_398 = arith.addi %mul3A_2, %add3A_397 : i32
    %dma_start3A_399 = arith.constant 0 : i32
    %dma_start3A_400 = arith.constant 0 : i32
    %dma_start3A_401 = tpu.memref_slice %arg5[%dma_start3A_399, %dma_start3A_400] : memref<56x1024xf32, #tpu.memory_space<vmem>> -> memref<8x1024xf32, #tpu.memory_space<vmem>>
    %dma_start3A_402 = arith.constant 0 : i32
    %dma_start3A_403 = tpu.memref_slice %arg2[%add3A_398, %dma_start3A_402] : memref<16384x1024xf32, #tpu.memory_space<hbm>> -> memref<8x1024xf32, #tpu.memory_space<hbm>>
    %dma_start3A_404 = arith.constant 0 : i32
    %dma_start3A_405 = arith.constant 0 : i32
    %dma_start3A_406 = tpu.memref_slice %arg5[%dma_start3A_404, %dma_start3A_405] : memref<56x1024xf32, #tpu.memory_space<vmem>> -> memref<8x1024xf32, #tpu.memory_space<vmem>>
    %dma_start3A_407 = arith.constant 0 : i32
    %dma_start3A_408 = tpu.memref_slice %arg2[%add3A_398, %dma_start3A_407] : memref<16384x1024xf32, #tpu.memory_space<hbm>> -> memref<8x1024xf32, #tpu.memory_space<hbm>>
    tpu.enqueue_dma source(%dma_start3A_408 : memref<8x1024xf32, #tpu.memory_space<hbm>>) target(%dma_start3A_406 : memref<8x1024xf32, #tpu.memory_space<vmem>>) target_semaphore(%arg7 : memref<!tpu.dma_semaphore, #tpu.memory_space<semaphore_mem>>)
    %add3A_409 = arith.constant 448 : i32
    %add3A_410 = arith.addi %mul3A_2, %add3A_409 : i32
    %dma_wait3A_411 = arith.constant 0 : i32
    %dma_wait3A_412 = arith.constant 0 : i32
    %dma_wait3A_413 = tpu.memref_slice %arg4[%dma_wait3A_411, %dma_wait3A_412] : memref<56x1024xf32, #tpu.memory_space<vmem>> -> memref<56x1024xf32, #tpu.memory_space<vmem>>
    %dma_wait3A_414 = arith.constant 0 : i32
    %dma_wait3A_415 = tpu.memref_slice %arg2[%add3A_410, %dma_wait3A_414] : memref<16384x1024xf32, #tpu.memory_space<hbm>> -> memref<56x1024xf32, #tpu.memory_space<hbm>>
    %dma_wait3A_416 = arith.constant 0 : i32
    %dma_wait3A_417 = arith.constant 0 : i32
    %dma_wait3A_418 = tpu.memref_slice %arg4[%dma_wait3A_416, %dma_wait3A_417] : memref<56x1024xf32, #tpu.memory_space<vmem>> -> memref<56x1024xf32, #tpu.memory_space<vmem>>
    %dma_wait3A_419 = arith.constant 0 : i32
    %dma_wait3A_420 = tpu.memref_slice %arg2[%add3A_410, %dma_wait3A_419] : memref<16384x1024xf32, #tpu.memory_space<hbm>> -> memref<56x1024xf32, #tpu.memory_space<hbm>>
    tpu.wait_dma2 semaphore(%arg6 : memref<!tpu.dma_semaphore, #tpu.memory_space<semaphore_mem>>) src(%dma_wait3A_420 : memref<56x1024xf32, #tpu.memory_space<hbm>>) dst(%dma_wait3A_418 : memref<56x1024xf32, #tpu.memory_space<vmem>>)
    %add3A_421 = arith.constant 448 : i32
    %add3A_422 = arith.addi %mul3A_2, %add3A_421 : i32
    %dma_start3A_423 = arith.constant 0 : i32
    %dma_start3A_424 = arith.constant 0 : i32
    %dma_start3A_425 = tpu.memref_slice %arg4[%dma_start3A_423, %dma_start3A_424] : memref<56x1024xf32, #tpu.memory_space<vmem>> -> memref<56x1024xf32, #tpu.memory_space<vmem>>
    %dma_start3A_426 = arith.constant 0 : i32
    %dma_start3A_427 = tpu.memref_slice %arg3[%add3A_422, %dma_start3A_426] : memref<16384x1024xf32, #tpu.memory_space<hbm>> -> memref<56x1024xf32, #tpu.memory_space<hbm>>
    %dma_start3A_428 = arith.constant 0 : i32
    %dma_start3A_429 = tpu.memref_slice %arg3[%add3A_422, %dma_start3A_428] : memref<16384x1024xf32, #tpu.memory_space<hbm>> -> memref<56x1024xf32, #tpu.memory_space<hbm>>
    %dma_start3A_430 = arith.constant 0 : i32
    %dma_start3A_431 = arith.constant 0 : i32
    %dma_start3A_432 = tpu.memref_slice %arg4[%dma_start3A_430, %dma_start3A_431] : memref<56x1024xf32, #tpu.memory_space<vmem>> -> memref<56x1024xf32, #tpu.memory_space<vmem>>
    tpu.enqueue_dma source(%dma_start3A_432 : memref<56x1024xf32, #tpu.memory_space<vmem>>) target(%dma_start3A_429 : memref<56x1024xf32, #tpu.memory_space<hbm>>) target_semaphore(%arg8 : memref<!tpu.dma_semaphore, #tpu.memory_space<semaphore_mem>>)
    %add3A_433 = arith.constant 504 : i32
    %add3A_434 = arith.addi %mul3A_2, %add3A_433 : i32
    %dma_wait3A_435 = arith.constant 0 : i32
    %dma_wait3A_436 = arith.constant 0 : i32
    %dma_wait3A_437 = tpu.memref_slice %arg5[%dma_wait3A_435, %dma_wait3A_436] : memref<56x1024xf32, #tpu.memory_space<vmem>> -> memref<8x1024xf32, #tpu.memory_space<vmem>>
    %dma_wait3A_438 = arith.constant 0 : i32
    %dma_wait3A_439 = tpu.memref_slice %arg2[%add3A_434, %dma_wait3A_438] : memref<16384x1024xf32, #tpu.memory_space<hbm>> -> memref<8x1024xf32, #tpu.memory_space<hbm>>
    %dma_wait3A_440 = arith.constant 0 : i32
    %dma_wait3A_441 = arith.constant 0 : i32
    %dma_wait3A_442 = tpu.memref_slice %arg5[%dma_wait3A_440, %dma_wait3A_441] : memref<56x1024xf32, #tpu.memory_space<vmem>> -> memref<8x1024xf32, #tpu.memory_space<vmem>>
    %dma_wait3A_443 = arith.constant 0 : i32
    %dma_wait3A_444 = tpu.memref_slice %arg2[%add3A_434, %dma_wait3A_443] : memref<16384x1024xf32, #tpu.memory_space<hbm>> -> memref<8x1024xf32, #tpu.memory_space<hbm>>
    tpu.wait_dma2 semaphore(%arg7 : memref<!tpu.dma_semaphore, #tpu.memory_space<semaphore_mem>>) src(%dma_wait3A_444 : memref<8x1024xf32, #tpu.memory_space<hbm>>) dst(%dma_wait3A_442 : memref<8x1024xf32, #tpu.memory_space<vmem>>)
    %add3A_445 = arith.constant 504 : i32
    %add3A_446 = arith.addi %mul3A_2, %add3A_445 : i32
    %dma_start3A_447 = arith.constant 0 : i32
    %dma_start3A_448 = arith.constant 0 : i32
    %dma_start3A_449 = tpu.memref_slice %arg5[%dma_start3A_447, %dma_start3A_448] : memref<56x1024xf32, #tpu.memory_space<vmem>> -> memref<8x1024xf32, #tpu.memory_space<vmem>>
    %dma_start3A_450 = arith.constant 0 : i32
    %dma_start3A_451 = tpu.memref_slice %arg3[%add3A_446, %dma_start3A_450] : memref<16384x1024xf32, #tpu.memory_space<hbm>> -> memref<8x1024xf32, #tpu.memory_space<hbm>>
    %dma_start3A_452 = arith.constant 0 : i32
    %dma_start3A_453 = tpu.memref_slice %arg3[%add3A_446, %dma_start3A_452] : memref<16384x1024xf32, #tpu.memory_space<hbm>> -> memref<8x1024xf32, #tpu.memory_space<hbm>>
    %dma_start3A_454 = arith.constant 0 : i32
    %dma_start3A_455 = arith.constant 0 : i32
    %dma_start3A_456 = tpu.memref_slice %arg5[%dma_start3A_454, %dma_start3A_455] : memref<56x1024xf32, #tpu.memory_space<vmem>> -> memref<8x1024xf32, #tpu.memory_space<vmem>>
    tpu.enqueue_dma source(%dma_start3A_456 : memref<8x1024xf32, #tpu.memory_space<vmem>>) target(%dma_start3A_453 : memref<8x1024xf32, #tpu.memory_space<hbm>>) target_semaphore(%arg9 : memref<!tpu.dma_semaphore, #tpu.memory_space<semaphore_mem>>)
    %add3A_457 = arith.constant 448 : i32
    %add3A_458 = arith.addi %mul3A_2, %add3A_457 : i32
    %dma_wait3A_459 = arith.constant 0 : i32
    %dma_wait3A_460 = arith.constant 0 : i32
    %dma_wait3A_461 = tpu.memref_slice %arg4[%dma_wait3A_459, %dma_wait3A_460] : memref<56x1024xf32, #tpu.memory_space<vmem>> -> memref<56x1024xf32, #tpu.memory_space<vmem>>
    %dma_wait3A_462 = arith.constant 0 : i32
    %dma_wait3A_463 = tpu.memref_slice %arg3[%add3A_458, %dma_wait3A_462] : memref<16384x1024xf32, #tpu.memory_space<hbm>> -> memref<56x1024xf32, #tpu.memory_space<hbm>>
    %dma_wait3A_464 = arith.constant 0 : i32
    %dma_wait3A_465 = tpu.memref_slice %arg3[%add3A_458, %dma_wait3A_464] : memref<16384x1024xf32, #tpu.memory_space<hbm>> -> memref<56x1024xf32, #tpu.memory_space<hbm>>
    %dma_wait3A_466 = arith.constant 0 : i32
    %dma_wait3A_467 = arith.constant 0 : i32
    %dma_wait3A_468 = tpu.memref_slice %arg4[%dma_wait3A_466, %dma_wait3A_467] : memref<56x1024xf32, #tpu.memory_space<vmem>> -> memref<56x1024xf32, #tpu.memory_space<vmem>>
    tpu.wait_dma2 semaphore(%arg8 : memref<!tpu.dma_semaphore, #tpu.memory_space<semaphore_mem>>) src(%dma_wait3A_468 : memref<56x1024xf32, #tpu.memory_space<vmem>>) dst(%dma_wait3A_465 : memref<56x1024xf32, #tpu.memory_space<hbm>>)
    %add3A_469 = arith.constant 504 : i32
    %add3A_470 = arith.addi %mul3A_2, %add3A_469 : i32
    %dma_wait3A_471 = arith.constant 0 : i32
    %dma_wait3A_472 = arith.constant 0 : i32
    %dma_wait3A_473 = tpu.memref_slice %arg5[%dma_wait3A_471, %dma_wait3A_472] : memref<56x1024xf32, #tpu.memory_space<vmem>> -> memref<8x1024xf32, #tpu.memory_space<vmem>>
    %dma_wait3A_474 = arith.constant 0 : i32
    %dma_wait3A_475 = tpu.memref_slice %arg3[%add3A_470, %dma_wait3A_474] : memref<16384x1024xf32, #tpu.memory_space<hbm>> -> memref<8x1024xf32, #tpu.memory_space<hbm>>
    %dma_wait3A_476 = arith.constant 0 : i32
    %dma_wait3A_477 = tpu.memref_slice %arg3[%add3A_470, %dma_wait3A_476] : memref<16384x1024xf32, #tpu.memory_space<hbm>> -> memref<8x1024xf32, #tpu.memory_space<hbm>>
    %dma_wait3A_478 = arith.constant 0 : i32
    %dma_wait3A_479 = arith.constant 0 : i32
    %dma_wait3A_480 = tpu.memref_slice %arg5[%dma_wait3A_478, %dma_wait3A_479] : memref<56x1024xf32, #tpu.memory_space<vmem>> -> memref<8x1024xf32, #tpu.memory_space<vmem>>
    tpu.wait_dma2 semaphore(%arg9 : memref<!tpu.dma_semaphore, #tpu.memory_space<semaphore_mem>>) src(%dma_wait3A_480 : memref<8x1024xf32, #tpu.memory_space<vmem>>) dst(%dma_wait3A_477 : memref<8x1024xf32, #tpu.memory_space<hbm>>)
    return
  }
}

</mosaic_0001>

<sc_bundles>
// kernel: kernel.3.cloned.1.call-start
scs
__scs_entry_jumppad:
0x0: {  	(pc) =	sbr.rel $0x88, $3  }
0x1: {  	(tag) =	ssettag $0x0;
	lr =	simm.s32 $0x1  }
0x2: {  	[smem:$0x3FA0] =	sst lr;
	_ =	strace $0xD0000000  }
0x3: {  	_ = 	snop  }
0x4: {  	_ = 	snop  }
0x5: {  	_ = 	snop  }
0x6: {  	_ = 	snop  }
0x7: {  	_ = 	snop  }
__scs_overlays_trampoline_lowered:
0x8: {  	[smem:$0x3FAF] =	sst s0  }
0x9: {  	[smem:$0x3FB0] =	sst s1  }
0xa: {  	[smem:$0x3FB1] =	sst s2  }
0xb: {  	[smem:$0x3FB2] =	sst s3  }
0xc: {  	[smem:$0x3FB3] =	sst s4  }
0xd: {  	[smem:$0x3FB4] =	sst s5  }
0xe: {  	[smem:$0x3FB5] =	sst s6  }
0xf: {  	[smem:$0x3FB6] =	sst s7  }
0x10: {  	[smem:$0x3FB7] =	sst s8  }
0x11: {  	[smem:$0x3FB8] =	sst s9;
	s0 =	simm.s32 @!p0 $0x0  }
0x12: {  	s1 =	sld [smem:$0x3F9E];
	s0 =	simm.s32 @p0 $0x1  }
0x13: {  	[smem:$0x3FB9] =	sst s0;
	s0 =	simm.s32 @!p1 $0x0  }
0x14: {  	s2 =	sld [smem:$0x3F9D];
	s0 =	simm.s32 @p1 $0x1  }
0x15: {  	[smem:$0x3FBA] =	sst s0;
	s0 =	simm.s32 @!p2 $0x0  }
0x16: {  	s3 =	sld [smem:$0x3FDB];
	s0 =	simm.s32 @p2 $0x1  }
0x17: {  	s4 =	simm.s32 $0x1BF5;
	[smem:$0x3FBC] =	sst s0  }
0x18: {  	s0 =	sld [smem:$0x3F9F];
	_ =	swait.ge [sflag:s4], $0x0  }
0x19: {  	s7 =	sld [smem:$0x3FA0]  }
0x1a: {  	s8 =	sadd.s32 $0xFFFFE003, lr  }
0x1b: {  	s9 =	sadd.s32 $0xFFFFFEF7, lr;
	s5 =	simm.s32 $0xFFFFFFFF;
	p2 =	slt.u32 s8, $0xFFFFF086  }
0x1c: {  	p1 =	slt.u32 s9, $0xF7A;
	s5 =	simm.s32 @!p2 $0x0  }
0x1d: {  	s5 =	simm.s32 @p1 $0x1;
	p0 =	seq.s32 s7, s2  }
0x1e: {  	s7 =	smul.u32 @!p0 $0xF7A, s2;
	p2 =	seq.s32 @!p0 s5, $0x0  }
0x1f: {  	s9 =	smul.u32 $0xF7A, s1;
	s8 =	simm.s32 @!p0 $0x1BF5;
	p2 =	por !p2, p0  }
0x20: {  	[sflag:s8] =	ssyncset.s32 @!p0 $0xFFFFF086;
	s6 =	sadd.s32 @!p0 s3, s7;
	s7 =	simm.s32 @!p0 $0x108  }
0x21: {  	s3 =	sadd.s32 s3, s9;
	s6 =	sadd.s32 @!p0 $0x88, s6;
	s7 =	simm.s32 @p2 $0x1082  }
0x22: {  	[simem:s7], [sflag:s8] =	dma.local @!p0 [hbm:s6], $0xF7A  }
0x23: {  	s9 =	sor.u32 $0xD0000000, s2;
	s6 =	simm.s32 $0x108;
	_ =	swait.ge @!p0 [sflag:s8], $0x0  }
0x24: {  	s3 =	sadd.s32 $0x88, s3;
	s6 =	simm.s32 @!p1 $0x1082;
	[sflag:s4] =	ssyncset.s32 $0xFFFFF086  }
0x25: {  	[simem:s6], [sflag:s4] =	dma.local [hbm:s3], $0xF7A  }
0x26: {  	[smem:$0x3FA0] =	sst s1;
	(tag) =	ssettag s2;
	_ =	strace s9  }
0x27: {  	s1 =	sld [smem:$0x3FB0]  }
0x28: {  	s2 =	sld [smem:$0x3FB1]  }
0x29: {  	s4 =	sld [smem:$0x3FB3]  }
0x2a: {  	p0 =	seq.s32 s5, $0x0;
	s5 =	sld [smem:$0x3FB4]  }
0x2b: {  	s6 =	sld [smem:$0x3FB5]  }
0x2c: {  	s7 =	sld [smem:$0x3FB6]  }
0x2d: {  	s3 =	simm.s32 $0x108;
	s8 =	sld [smem:$0x3FB7]  }
0x2e: {  	s3 =	simm.s32 @!p0 $0x1082;
	s9 =	sld [smem:$0x3FB8]  }
0x2f: {  	lr =	sadd.s32 s0, s3;
	s0 =	sld [smem:$0x3FAF]  }
0x30: {  	s3 =	sld [smem:$0x3FB2]  }
0x31: {  	[smem:$0x3FBB] =	sst s10  }
0x32: {  	s10 =	sld [smem:$0x3FB9];
	_ =	sdelay $0x3  }
0x33: {  	p0 =	seq.s32 s10, $0x1;
	s10 =	sld [smem:$0x3FBB];
	_ =	sdelay $0x3  }
0x34: {  	[smem:$0x3FBB] =	sst s10  }
0x35: {  	s10 =	sld [smem:$0x3FBA];
	_ =	sdelay $0x3  }
0x36: {  	p1 =	seq.s32 s10, $0x1;
	s10 =	sld [smem:$0x3FBB];
	_ =	sdelay $0x3  }
0x37: {  	[smem:$0x3FBB] =	sst s10  }
0x38: {  	s10 =	sld [smem:$0x3FBC]  }
0x39: {  	_ = 	snop;
	(pc) =	sbr.ind lr, $3  }
0x3a: {  	_ = 	snop  }
0x3b: {  	_ = 	snop  }
0x3c: {  	p2 =	seq.s32 s10, $0x1;
	s10 =	sld [smem:$0x3FBB]  }
0x3d: {  	_ =	shalt  }
0x3e: {  	_ =	shalt  }
0x3f: {  	_ =	shalt  }
0x40: {  	_ =	shalt  }
0x41: {  	_ =	shalt  }
0x42: {  	_ =	shalt  }
0x43: {  	_ =	shalt  }
0x44: {  	_ =	shalt  }
0x45: {  	_ =	shalt  }
0x46: {  	_ =	shalt  }
0x47: {  	_ =	shalt  }
0x48: {  	_ =	shalt  }
0x49: {  	_ =	shalt  }
0x4a: {  	_ =	shalt  }
0x4b: {  	_ =	shalt  }
0x4c: {  	_ =	shalt  }
0x4d: {  	_ =	shalt  }
0x4e: {  	_ =	shalt  }
0x4f: {  	_ =	shalt  }
0x50: {  	_ =	shalt  }
0x51: {  	_ =	shalt  }
0x52: {  	_ =	shalt  }
0x53: {  	_ =	shalt  }
0x54: {  	_ =	shalt  }
0x55: {  	_ =	shalt  }
0x56: {  	_ =	shalt  }
0x57: {  	_ =	shalt  }
0x58: {  	_ =	shalt  }
0x59: {  	_ =	shalt  }
0x5a: {  	_ =	shalt  }
0x5b: {  	_ =	shalt  }
0x5c: {  	_ =	shalt  }
0x5d: {  	_ =	shalt  }
0x5e: {  	_ =	shalt  }
0x5f: {  	_ =	shalt  }
0x60: {  	_ =	shalt  }
0x61: {  	_ =	shalt  }
0x62: {  	_ =	shalt  }
0x63: {  	_ =	shalt  }
0x64: {  	_ =	shalt  }
0x65: {  	_ =	shalt  }
0x66: {  	_ =	shalt  }
0x67: {  	_ =	shalt  }
0x68: {  	_ =	shalt  }
0x69: {  	_ =	shalt  }
0x6a: {  	_ =	shalt  }
0x6b: {  	_ =	shalt  }
0x6c: {  	_ =	shalt  }
0x6d: {  	_ =	shalt  }
0x6e: {  	_ =	shalt  }
0x6f: {  	_ =	shalt  }
0x70: {  	_ =	shalt  }
0x71: {  	_ =	shalt  }
0x72: {  	_ =	shalt  }
0x73: {  	_ =	shalt  }
0x74: {  	_ =	shalt  }
0x75: {  	_ =	shalt  }
0x76: {  	_ =	shalt  }
0x77: {  	_ =	shalt  }
0x78: {  	_ =	shalt  }
0x79: {  	_ =	shalt  }
0x7a: {  	_ =	shalt  }
0x7b: {  	_ =	shalt  }
0x7c: {  	_ =	shalt  }
0x7d: {  	_ =	shalt  }
0x7e: {  	_ =	shalt  }
0x7f: {  	_ =	shalt  }
0x80: {  	_ =	shalt  }
0x81: {  	_ =	shalt  }
0x82: {  	_ =	shalt  }
0x83: {  	_ =	shalt  }
0x84: {  	_ =	shalt  }
0x85: {  	_ =	shalt  }
0x86: {  	_ =	shalt  }
0x87: {  	_ =	shalt  }
.Lfunc_end0:
.L_simem_size_0:
called_computation_lowered:
.L_overlay_start_0:
0x88: {  	s2 =	sld [smem:$0x3FD9]  }
0x89: {  	s3 =	sld [smem:$0x3FFE];
	_ =	sdelay $0x1  }
0x8a: {  	s1 =	srdreg.scid  }
0x8b: {  	s0 =	sand.u32 $0x1, s1  }
0x8c: {  	s18 =	sshll.u32 s0, $0xA;
	s2 =	sadd.s32 s3, s2  }
0x8d: {  	s2 =	sadd.s32 s2, s18  }
0x8e: {  	[smem:$0x3FC7] =	sst s2  }
0x8f: {  	_ = 	snop  }
0x90: {  	s2 =	sld [smem:$0x3FC9]  }
0x91: {  	s19 =	sld [smem:$0x3FD0];
	(tm) =	ssettm $0x1  }
0x92: {  	s4 =	sld [smem:$0x3FFB];
	_ =	sdelay $0x3  }
0x93: {  	_ =	strace s4  }
0x94: {  	s4 =	sld [smem:$0x3FFC];
	_ =	sdelay $0x3  }
0x95: {  	_ =	strace s4  }
0x96: {  	s4 =	sld [smem:$0x3FFD];
	_ =	sdelay $0x3  }
0x97: {  	_ =	strace s4  }
0x98: {  	_ =	strace $0x8FFFFFFF  }
0x99: {  	s20 =	sld [smem:$0x3FDB];
	_ =	sdelay $0x1  }
0x9a: {  	s5 =	simm.s32 $_scs_section_size  }
0x9b: {  	s6 =	simm.s32 $_size__tile_overlayer_lowered;
	s7 =	simm.s32 $_tile_overlayer_lowered  }
0x9c: {  	s23 =	simm.s32 $0x1BFF;
	s22 =	sshll.u32 s7, $0x1;
	s4 =	sadd.s32 s5, s20  }
0x9d: {  	s8 =	simm.s32 $0x0;
	s21 =	sshll.u32 s6, $0x1;
	s6 =	sadd.s32 s22, s4  }
0x9e: {  	[timem:s8], [sflag:s23] =	dma.local [hbm:s6], s21  }
0x9f: {  	_ =	swait.ge [sflag:s23], s21  }
0xa0: {  	s5 =	ssub.s32 $0x0, s21;
	[sflag:s23] =	ssyncset.done $0x0  }
0xa1: {  	[sflag:s23] =	ssyncadd.s32 s5;
	_ =	sdelay $0x1  }
0xa2: {  	s24 =	simm.s32 $0x1B8B  }
0xa3: {  	_ =	swait.ge [sflag:s24], $0x1  }
0xa4: {  	[sflag:s24] =	ssyncset.done $0x0  }
0xa5: {  	s25 =	simm.s32 $0x1B8E;
	[sflag:s24] =	ssyncadd.s32 $0xFFFFFFFF  }
0xa6: {  	s26 =	simm.s32 $execute0_lowered;
	[smem:$0x3FD2] =	sst s25  }
0xa7: {  	s5 =	sshll.u32 s26, $0x1;
	_ =	strace $0x80000046;
	[dreg:$0x1] =	wrdreg $0xFFFFFFFF  }
0xa8: {  	s28 =	simm.s32 $_size_execute0_lowered;
	s4 =	sadd.s32 s4, s5;
	[dreg:$0x0] =	wrdreg $0x0  }
0xa9: {  	s5 =	sshll.u32 s28, $0x1;
	[dreg:$0x2] =	wrdreg s4  }
0xaa: {  	[dreg:$0x3] =	wrdreg s5  }
0xab: {  	[dreg:$0x4] =	wrdreg $0xC0  }
0xac: {  	_ =	task [dreg:s8], $0x5FFFF  }
0xad: {  	[dreg:$0x1] =	wrdreg $0xFFFFFFFF  }
0xae: {  	[dreg:$0x0] =	wrdreg $0x60  }
0xaf: {  	[dreg:$0x2] =	wrdreg s2  }
0xb0: {  	[dreg:$0x3] =	wrdreg s19  }
0xb1: {  	[dreg:$0x4] =	wrdreg $0x9  }
0xb2: {  	_ =	task.clear_ibuf [dreg:s8], $0x5FFFF;
	_ =	strace $0x90000046  }
0xb3: {  	s29 =	simm.s32 $0x9;
	_ =	strace $0x80000048  }
0xb4: {  	_ =	swait.ge [sflag:s29], $0x1  }
0xb5: {  	[sflag:s29] =	ssyncadd.s32 $0xFFFFFFFF  }
0xb6: {  	_ =	strace $0x90000048  }
0xb7: {  	_ =	sfence  }
0xb8: {  	s30 =	sld [smem:$0x0];
	_ =	sdelay $0x2  }
0xb9: {  	s31 =	sshll.u32 s1, $0xD;
	s1 =	sshrl.u32 s1, $0x2  }
0xba: {  	s3 =	sand.u32 $0x4000, s31;
	s1 =	sadd.s32 s1, s30  }
0xbb: {  	s0 =	sor.u32 s3, s0;
	s1 =	sshll.u32 s1, $0x11  }
0xbc: {  	s0 =	sor.u32 s1, s0  }
0xbd: {  	s0 =	sadd.s32 $0x8F2B, s0  }
0xbe: {  	[sflag:s0] =	ssyncadd.remote.s32 $0x1  }
0xbf: {  	_ =	sfence.sel $0xFFFF  }
0xc0: {  	[dreg:$0x0] =	wrdreg $0xFFFFFFFF;
	(pc) =	sbr.abs _section_cstart, $3  }
0xc1: {  	[dreg:$0x1] =	wrdreg $0xFFFFFFFF  }
0xc2: {  	_ =	task.clear_ibuf [dreg:s8], $0x2FFFF;
	_ =	strace $0x9FFFFFFF  }
0xc3: {  	(tm) =	ssettm $0x7FFFFFFF  }
tec
execute0_lowered:
.L_overlay_start_1:
0x0: {  	(tag) =	ssettag $0x1  }
0x1: {  	s25 =	rddreg [dreg:$0x0]  }
0x2: {  	s28 =	rddreg [dreg:$0x1];
	s2 =	srdreg.scid  }
0x3: {  	s0 =	rddreg [dreg:$0x2];
	s1 =	stileid.u32;
	s29 =	sand.u32 $0x1, s2  }
0x4: {  	s2 =	simm.s32 $0x0;
	s3 =	sshll.u32 s1, $0x11;
	s4 =	sshll.u32 s29, $0x10  }
0x5: {  	[smem:$0x7FF] =	sst s2;
	s26 =	sor.u32 s4, s3  }
0x6: {  	_ =	strace $0x80000047;
	s3 =	sadd.s32 s25, s26;
	s11 =	sor.u32 $0x1C00, s26  }
0x7: {  	[tilespmem:s2], [sflag:$0x1] =	stream.linear.gather [hbm4b:s3+s2], $0xE000, $0x38;
	[tilespmem:$0x1C000] =	vst v63  }
0x8: {  	s5 =	simm.s32 $0xE000;
	s6 =	simm.s32 $0x1;
	s4 =	sadd.s32 s25, s11  }
0x9: {  	[tilespmem:s5], [sflag:$0x2] =	stream.linear.gather [hbm4b:s4+s2], $0xE000, $0x38;
	[tilespmem:$0x1C000] =	vst v63  }
0xa: {  	_ =	swait.ge [sflag:s6], $0xE000  }
0xb: {  	[sflag:s6] =	ssyncset.done $0x0  }
0xc: {  	s8 =	simm.s32 $0x3;
	s7 =	sadd.s32 s28, s26;
	[sflag:s6] =	ssyncadd.s32 $0xFFFF2000  }
0xd: {  	[hbm4b:s7+s2] =	stream.linear.scatter [tilespmem:s2], [sflag:$0x3], $0xE000, $0x38;
	[tilespmem:$0x1C000] =	vst v63  }
0xe: {  	_ =	swait.ge [sflag:s8], $0xE000  }
0xf: {  	s14 =	sor.u32 $0x3800, s26;
	[sflag:s8] =	ssyncset.done $0x0  }
0x10: {  	s10 =	simm.s32 $0x2;
	s9 =	sadd.s32 s25, s14;
	[sflag:s8] =	ssyncadd.s32 $0xFFFF2000  }
0x11: {  	[tilespmem:s2], [sflag:$0x1] =	stream.linear.gather [hbm4b:s9+s2], $0xE000, $0x38;
	[tilespmem:$0x1C000] =	vst v63  }
0x12: {  	_ =	swait.ge [sflag:s10], $0xE000  }
0x13: {  	[sflag:s10] =	ssyncset.done $0x0  }
0x14: {  	s12 =	sadd.s32 s28, s11;
	s11 =	simm.s32 $0x4;
	[sflag:s10] =	ssyncadd.s32 $0xFFFF2000  }
0x15: {  	[hbm4b:s12+s2] =	stream.linear.scatter [tilespmem:s5], [sflag:$0x4], $0xE000, $0x38;
	[tilespmem:$0x1C000] =	vst v63  }
0x16: {  	_ =	swait.ge [sflag:s11], $0xE000  }
0x17: {  	s16 =	sor.u32 $0x5400, s26;
	[sflag:s11] =	ssyncset.done $0x0  }
0x18: {  	s13 =	sadd.s32 s25, s16;
	[sflag:s11] =	ssyncadd.s32 $0xFFFF2000  }
0x19: {  	[tilespmem:s5], [sflag:$0x2] =	stream.linear.gather [hbm4b:s13+s2], $0xE000, $0x38;
	[tilespmem:$0x1C000] =	vst v63  }
0x1a: {  	_ =	swait.ge [sflag:s6], $0xE000  }
0x1b: {  	[sflag:s6] =	ssyncset.done $0x0  }
0x1c: {  	s14 =	sadd.s32 s28, s14;
	[sflag:s6] =	ssyncadd.s32 $0xFFFF2000  }
0x1d: {  	[hbm4b:s14+s2] =	stream.linear.scatter [tilespmem:s2], [sflag:$0x3], $0xE000, $0x38;
	[tilespmem:$0x1C000] =	vst v63  }
0x1e: {  	_ =	swait.ge [sflag:s8], $0xE000  }
0x1f: {  	s18 =	sor.u32 $0x7000, s26;
	[sflag:s8] =	ssyncset.done $0x0  }
0x20: {  	s15 =	sadd.s32 s25, s18;
	[sflag:s8] =	ssyncadd.s32 $0xFFFF2000  }
0x21: {  	[tilespmem:s2], [sflag:$0x1] =	stream.linear.gather [hbm4b:s15+s2], $0xE000, $0x38;
	[tilespmem:$0x1C000] =	vst v63  }
0x22: {  	_ =	swait.ge [sflag:s10], $0xE000  }
0x23: {  	[sflag:s10] =	ssyncset.done $0x0  }
0x24: {  	s16 =	sadd.s32 s28, s16;
	[sflag:s10] =	ssyncadd.s32 $0xFFFF2000  }
0x25: {  	[hbm4b:s16+s2] =	stream.linear.scatter [tilespmem:s5], [sflag:$0x4], $0xE000, $0x38;
	[tilespmem:$0x1C000] =	vst v63  }
0x26: {  	_ =	swait.ge [sflag:s11], $0xE000  }
0x27: {  	s20 =	sor.u32 $0x8C00, s26;
	[sflag:s11] =	ssyncset.done $0x0  }
0x28: {  	s17 =	sadd.s32 s25, s20;
	[sflag:s11] =	ssyncadd.s32 $0xFFFF2000  }
0x29: {  	[tilespmem:s5], [sflag:$0x2] =	stream.linear.gather [hbm4b:s17+s2], $0xE000, $0x38;
	[tilespmem:$0x1C000] =	vst v63  }
0x2a: {  	_ =	swait.ge [sflag:s6], $0xE000  }
0x2b: {  	[sflag:s6] =	ssyncset.done $0x0  }
0x2c: {  	s18 =	sadd.s32 s28, s18;
	[sflag:s6] =	ssyncadd.s32 $0xFFFF2000  }
0x2d: {  	[hbm4b:s18+s2] =	stream.linear.scatter [tilespmem:s2], [sflag:$0x3], $0xE000, $0x38;
	[tilespmem:$0x1C000] =	vst v63  }
0x2e: {  	_ =	swait.ge [sflag:s8], $0xE000  }
0x2f: {  	s22 =	sor.u32 $0xA800, s26;
	[sflag:s8] =	ssyncset.done $0x0  }
0x30: {  	s19 =	sadd.s32 s25, s22;
	[sflag:s8] =	ssyncadd.s32 $0xFFFF2000  }
0x31: {  	[tilespmem:s2], [sflag:$0x1] =	stream.linear.gather [hbm4b:s19+s2], $0xE000, $0x38;
	[tilespmem:$0x1C000] =	vst v63  }
0x32: {  	_ =	swait.ge [sflag:s10], $0xE000  }
0x33: {  	[sflag:s10] =	ssyncset.done $0x0  }
0x34: {  	s20 =	sadd.s32 s28, s20;
	[sflag:s10] =	ssyncadd.s32 $0xFFFF2000  }
0x35: {  	[hbm4b:s20+s2] =	stream.linear.scatter [tilespmem:s5], [sflag:$0x4], $0xE000, $0x38;
	[tilespmem:$0x1C000] =	vst v63  }
0x36: {  	_ =	swait.ge [sflag:s11], $0xE000  }
0x37: {  	s24 =	sor.u32 $0xC400, s26;
	[sflag:s11] =	ssyncset.done $0x0  }
0x38: {  	s21 =	sadd.s32 s25, s24;
	[sflag:s11] =	ssyncadd.s32 $0xFFFF2000  }
0x39: {  	[tilespmem:s5], [sflag:$0x2] =	stream.linear.gather [hbm4b:s21+s2], $0xE000, $0x38;
	[tilespmem:$0x1C000] =	vst v63  }
0x3a: {  	_ =	swait.ge [sflag:s6], $0xE000  }
0x3b: {  	[sflag:s6] =	ssyncset.done $0x0  }
0x3c: {  	s22 =	sadd.s32 s28, s22;
	[sflag:s6] =	ssyncadd.s32 $0xFFFF2000  }
0x3d: {  	[hbm4b:s22+s2] =	stream.linear.scatter [tilespmem:s2], [sflag:$0x3], $0xE000, $0x38;
	[tilespmem:$0x1C000] =	vst v63  }
0x3e: {  	_ =	swait.ge [sflag:s8], $0xE000  }
0x3f: {  	s30 =	sor.u32 $0xE000, s26;
	[sflag:s8] =	ssyncset.done $0x0  }
0x40: {  	s23 =	sadd.s32 s25, s30;
	[sflag:s8] =	ssyncadd.s32 $0xFFFF2000  }
0x41: {  	[tilespmem:s2], [sflag:$0x1] =	stream.linear.gather [hbm4b:s23+s2], $0xE000, $0x38;
	[tilespmem:$0x1C000] =	vst v63  }
0x42: {  	_ =	swait.ge [sflag:s10], $0xE000  }
0x43: {  	[sflag:s10] =	ssyncset.done $0x0  }
0x44: {  	s24 =	sadd.s32 s28, s24;
	[sflag:s10] =	ssyncadd.s32 $0xFFFF2000  }
0x45: {  	[hbm4b:s24+s2] =	stream.linear.scatter [tilespmem:s5], [sflag:$0x4], $0xE000, $0x38;
	[tilespmem:$0x1C000] =	vst v63  }
0x46: {  	_ =	swait.ge [sflag:s11], $0xE000  }
0x47: {  	s31 =	sor.u32 $0xFC00, s26;
	[sflag:s11] =	ssyncset.done $0x0  }
0x48: {  	s25 =	sadd.s32 s25, s31;
	[sflag:s11] =	ssyncadd.s32 $0xFFFF2000  }
0x49: {  	[tilespmem:s5], [sflag:$0x2] =	stream.linear.gather [hbm4b:s25+s2], $0x2000, $0x38;
	[tilespmem:$0x1C000] =	vst v63  }
0x4a: {  	_ =	swait.ge [sflag:s6], $0xE000  }
0x4b: {  	s29 =	ssub.s32 $0x2, s29;
	s26 =	sadd.s32 s28, s30;
	[sflag:s6] =	ssyncset.done $0x0  }
0x4c: {  	s28 =	sadd.s32 s28, s31;
	s31 =	sshrl.u32 s29, $0x1;
	[sflag:s6] =	ssyncadd.s32 $0xFFFF2000  }
0x4d: {  	[hbm4b:s26+s2] =	stream.linear.scatter [tilespmem:s2], [sflag:$0x3], $0xE000, $0x38;
	[tilespmem:$0x1C000] =	vst v63  }
0x4e: {  	s29 =	ssub.s32 s29, s31;
	_ =	swait.ge [sflag:s10], $0x2000  }
0x4f: {  	s29 =	smax.u32 s29, $0x1;
	[sflag:s10] =	ssyncset.done $0x0  }
0x50: {  	p0 =	sne.s32 s29, $0x1;
	[sflag:s10] =	ssyncadd.s32 $0xFFFFE000  }
0x51: {  	[hbm4b:s28+s2] =	stream.linear.scatter [tilespmem:s5], [sflag:$0x4], $0x2000, $0x38;
	[tilespmem:$0x1C000] =	vst v63  }
.Ltmp0:
0x52: {  	_ =	swait.ge [sflag:s8], $0xE000;
	(pc) =	sbr.rel @!p0 .LBB2_2-.Ltmp0, $4  }
0x53: {  	[sflag:s8] =	ssyncset.done $0x0  }
0x54: {  	[sflag:s8] =	ssyncadd.s32 $0xFFFF2000  }
0x55: {  	_ =	swait.ge [sflag:s11], $0x2000  }
0x56: {  	s29 =	sadd.s32 $0xFFFFFFFF, s29;
	[sflag:s11] =	ssyncset.done $0x0  }
.LBB2_1:
0x57: {  	p0 =	sne.s32 s29, $0x1;
	s29 =	sadd.s32 $0xFFFFFFFF, s29;
	[sflag:s11] =	ssyncadd.s32 $0xFFFFE000  }
0x58: {  	[tilespmem:s2], [sflag:$0x1] =	stream.linear.gather [hbm4b:s3+s2], $0xE000, $0x38;
	[tilespmem:$0x1C000] =	vst v63  }
0x59: {  	_ = 	snop  }
0x5a: {  	[tilespmem:s5], [sflag:$0x2] =	stream.linear.gather [hbm4b:s4+s2], $0xE000, $0x38;
	[tilespmem:$0x1C000] =	vst v63  }
0x5b: {  	_ =	swait.ge [sflag:s6], $0xE000  }
0x5c: {  	[sflag:s6] =	ssyncset.done $0x0  }
0x5d: {  	[sflag:s6] =	ssyncadd.s32 $0xFFFF2000  }
0x5e: {  	[hbm4b:s7+s2] =	stream.linear.scatter [tilespmem:s2], [sflag:$0x3], $0xE000, $0x38;
	[tilespmem:$0x1C000] =	vst v63  }
0x5f: {  	_ =	swait.ge [sflag:s8], $0xE000  }
0x60: {  	[sflag:s8] =	ssyncset.done $0x0  }
0x61: {  	[sflag:s8] =	ssyncadd.s32 $0xFFFF2000  }
0x62: {  	[tilespmem:s2], [sflag:$0x1] =	stream.linear.gather [hbm4b:s9+s2], $0xE000, $0x38;
	[tilespmem:$0x1C000] =	vst v63  }
0x63: {  	_ =	swait.ge [sflag:s10], $0xE000  }
0x64: {  	[sflag:s10] =	ssyncset.done $0x0  }
0x65: {  	[sflag:s10] =	ssyncadd.s32 $0xFFFF2000  }
0x66: {  	[hbm4b:s12+s2] =	stream.linear.scatter [tilespmem:s5], [sflag:$0x4], $0xE000, $0x38;
	[tilespmem:$0x1C000] =	vst v63  }
0x67: {  	_ =	swait.ge [sflag:s11], $0xE000  }
0x68: {  	[sflag:s11] =	ssyncset.done $0x0  }
0x69: {  	[sflag:s11] =	ssyncadd.s32 $0xFFFF2000  }
0x6a: {  	[tilespmem:s5], [sflag:$0x2] =	stream.linear.gather [hbm4b:s13+s2], $0xE000, $0x38;
	[tilespmem:$0x1C000] =	vst v63  }
0x6b: {  	_ =	swait.ge [sflag:s6], $0xE000  }
0x6c: {  	[sflag:s6] =	ssyncset.done $0x0  }
0x6d: {  	[sflag:s6] =	ssyncadd.s32 $0xFFFF2000  }
0x6e: {  	[hbm4b:s14+s2] =	stream.linear.scatter [tilespmem:s2], [sflag:$0x3], $0xE000, $0x38;
	[tilespmem:$0x1C000] =	vst v63  }
0x6f: {  	_ =	swait.ge [sflag:s8], $0xE000  }
0x70: {  	[sflag:s8] =	ssyncset.done $0x0  }
0x71: {  	[sflag:s8] =	ssyncadd.s32 $0xFFFF2000  }
0x72: {  	[tilespmem:s2], [sflag:$0x1] =	stream.linear.gather [hbm4b:s15+s2], $0xE000, $0x38;
	[tilespmem:$0x1C000] =	vst v63  }
0x73: {  	_ =	swait.ge [sflag:s10], $0xE000  }
0x74: {  	[sflag:s10] =	ssyncset.done $0x0  }
0x75: {  	[sflag:s10] =	ssyncadd.s32 $0xFFFF2000  }
0x76: {  	[hbm4b:s16+s2] =	stream.linear.scatter [tilespmem:s5], [sflag:$0x4], $0xE000, $0x38;
	[tilespmem:$0x1C000] =	vst v63  }
0x77: {  	_ =	swait.ge [sflag:s11], $0xE000  }
0x78: {  	[sflag:s11] =	ssyncset.done $0x0  }
0x79: {  	[sflag:s11] =	ssyncadd.s32 $0xFFFF2000  }
0x7a: {  	[tilespmem:s5], [sflag:$0x2] =	stream.linear.gather [hbm4b:s17+s2], $0xE000, $0x38;
	[tilespmem:$0x1C000] =	vst v63  }
0x7b: {  	_ =	swait.ge [sflag:s6], $0xE000  }
0x7c: {  	[sflag:s6] =	ssyncset.done $0x0  }
0x7d: {  	[sflag:s6] =	ssyncadd.s32 $0xFFFF2000  }
0x7e: {  	[hbm4b:s18+s2] =	stream.linear.scatter [tilespmem:s2], [sflag:$0x3], $0xE000, $0x38;
	[tilespmem:$0x1C000] =	vst v63  }
0x7f: {  	_ =	swait.ge [sflag:s8], $0xE000  }
0x80: {  	[sflag:s8] =	ssyncset.done $0x0  }
0x81: {  	[sflag:s8] =	ssyncadd.s32 $0xFFFF2000  }
0x82: {  	[tilespmem:s2], [sflag:$0x1] =	stream.linear.gather [hbm4b:s19+s2], $0xE000, $0x38;
	[tilespmem:$0x1C000] =	vst v63  }
0x83: {  	_ =	swait.ge [sflag:s10], $0xE000  }
0x84: {  	[sflag:s10] =	ssyncset.done $0x0  }
0x85: {  	[sflag:s10] =	ssyncadd.s32 $0xFFFF2000  }
0x86: {  	[hbm4b:s20+s2] =	stream.linear.scatter [tilespmem:s5], [sflag:$0x4], $0xE000, $0x38;
	[tilespmem:$0x1C000] =	vst v63  }
0x87: {  	_ =	swait.ge [sflag:s11], $0xE000  }
0x88: {  	[sflag:s11] =	ssyncset.done $0x0  }
0x89: {  	[sflag:s11] =	ssyncadd.s32 $0xFFFF2000  }
0x8a: {  	[tilespmem:s5], [sflag:$0x2] =	stream.linear.gather [hbm4b:s21+s2], $0xE000, $0x38;
	[tilespmem:$0x1C000] =	vst v63  }
0x8b: {  	_ =	swait.ge [sflag:s6], $0xE000  }
0x8c: {  	[sflag:s6] =	ssyncset.done $0x0  }
0x8d: {  	[sflag:s6] =	ssyncadd.s32 $0xFFFF2000  }
0x8e: {  	[hbm4b:s22+s2] =	stream.linear.scatter [tilespmem:s2], [sflag:$0x3], $0xE000, $0x38;
	[tilespmem:$0x1C000] =	vst v63  }
0x8f: {  	_ =	swait.ge [sflag:s8], $0xE000  }
0x90: {  	[sflag:s8] =	ssyncset.done $0x0  }
0x91: {  	[sflag:s8] =	ssyncadd.s32 $0xFFFF2000  }
0x92: {  	[tilespmem:s2], [sflag:$0x1] =	stream.linear.gather [hbm4b:s23+s2], $0xE000, $0x38;
	[tilespmem:$0x1C000] =	vst v63  }
0x93: {  	_ =	swait.ge [sflag:s10], $0xE000  }
0x94: {  	[sflag:s10] =	ssyncset.done $0x0  }
0x95: {  	[sflag:s10] =	ssyncadd.s32 $0xFFFF2000  }
0x96: {  	[hbm4b:s24+s2] =	stream.linear.scatter [tilespmem:s5], [sflag:$0x4], $0xE000, $0x38;
	[tilespmem:$0x1C000] =	vst v63  }
0x97: {  	_ =	swait.ge [sflag:s11], $0xE000  }
0x98: {  	[sflag:s11] =	ssyncset.done $0x0  }
0x99: {  	[sflag:s11] =	ssyncadd.s32 $0xFFFF2000  }
0x9a: {  	[tilespmem:s5], [sflag:$0x2] =	stream.linear.gather [hbm4b:s25+s2], $0x2000, $0x38;
	[tilespmem:$0x1C000] =	vst v63  }
0x9b: {  	_ =	swait.ge [sflag:s6], $0xE000  }
0x9c: {  	[sflag:s6] =	ssyncset.done $0x0  }
0x9d: {  	[sflag:s6] =	ssyncadd.s32 $0xFFFF2000  }
0x9e: {  	[hbm4b:s26+s2] =	stream.linear.scatter [tilespmem:s2], [sflag:$0x3], $0xE000, $0x38;
	[tilespmem:$0x1C000] =	vst v63  }
0x9f: {  	_ =	swait.ge [sflag:s10], $0x2000  }
0xa0: {  	[sflag:s10] =	ssyncset.done $0x0  }
0xa1: {  	[sflag:s10] =	ssyncadd.s32 $0xFFFFE000  }
0xa2: {  	[hbm4b:s28+s2] =	stream.linear.scatter [tilespmem:s5], [sflag:$0x4], $0x2000, $0x38;
	[tilespmem:$0x1C000] =	vst v63  }
.Ltmp1:
0xa3: {  	_ =	swait.ge [sflag:s8], $0xE000;
	(pc) =	sbr.rel @p0 .LBB2_1-.Ltmp1, $4  }
0xa4: {  	[sflag:s8] =	ssyncset.done $0x0  }
0xa5: {  	[sflag:s8] =	ssyncadd.s32 $0xFFFF2000  }
0xa6: {  	_ =	swait.ge [sflag:s11], $0x2000  }
0xa7: {  	[sflag:s11] =	ssyncset.done $0x0  }
.LBB2_2:
0xa8: {  	[sflag:s11] =	ssyncadd.s32 $0xFFFFE000  }
0xa9: {  	_ =	sfence.sel $0x180000  }
0xaa: {  	[bflag:$0x0] =	sbarrier.arrive $0xFFFF  }
0xab: {  	p0 =	sne.s32 s1, $0x0;
	_ =	strace $0x90000047  }
0xac: {  	s0 =	sadd.s32 @!p0 $0x100000, s0;
	[bflag:$0x2] =	sbarrier.arrive $0xFFFF  }
0xad: {  	[sflag:s0] =	ssyncadd.tile.s32 @!p0 $0x1;
	_ =	shalt  }
.Lfunc_end2:
_tile_overlayer_lowered:
.L_overlay_start_2:
0xae: {  	(tag) =	ssettag $0x2  }
0xaf: {  	s0 =	rddreg [dreg:$0x0];
	s2 =	stileid.u32  }
0xb0: {  	s1 =	rddreg [dreg:$0x1];
	p0 =	sne.s32 s2, $0x0  }
0xb1: {  	s3 =	rddreg [dreg:$0x2];
	[bflag:$0x3] =	sbarrier.arrive $0xFFFF;
	s2 =	simm.s32 @!p0 $0x1C05  }
0xb2: {  	[timem:s3], [sflag:s2] =	dma.local @!p0 [hbm:s0], s1  }
0xb3: {  	s0 =	simm.s32 @!p0 $0x5  }
0xb4: {  	_ =	swait.ge @!p0 [sflag:s0], s1  }
0xb5: {  	s1 =	ssub.s32 @!p0 $0x0, s1;
	[sflag:s0] =	ssyncset.done @!p0 $0x0  }
0xb6: {  	[sflag:s0] =	ssyncadd.s32 @!p0 s1  }
0xb7: {  	[bflag:$0x3] =	sbarrier.arrive $0xFFFF  }
0xb8: {  	_ =	shalt  }

</sc_bundles>
